<compile_context>
chip_gen: v7x
topology: tpu7x:2x2x1
jax: 0.10.2.dev20260603
libtpu: 0.0.44.dev20260713+nightly
codegen_flags: <defaults>
</compile_context>

<pallas_src>
import jax
import jax.numpy as jnp
from jax import lax
from jax.experimental import pallas as pl
from jax.experimental.pallas import tpu as pltpu
from jax.experimental.pallas import tpu_sc as plsc

_M, _D, _B = 100000, 128, 16384
_CW = 16
_NCG = _D // _CW
_NRP = 4
_RPR = _M // _NRP
_NCH = 4
_R = _RPR // _NCH
_S = 256
_NP = _B // _S
_NB = 3


def _body(inp_hbm, idx_hbm, src_hbm, out_hbm,
          acc, b0, b1, b2, c0b, c1b, c2b, s0, s1, s2, semw0, semw1):
  ibufs = (b0, b1, b2)
  sbufs = (c0b, c1b, c2b)
  sems = (s0, s1, s2)
  cid = lax.axis_index("c")
  sid = lax.axis_index("s")
  wid = sid * 2 + cid
  cg = wid % _NCG
  rp = wid // _NCG
  c0 = cg * _CW
  lanes = lax.iota(jnp.int32, 16)

  def start(piece, t):
    pltpu.async_copy(
        idx_hbm.at[pl.ds(piece * _S, _S), pl.ds(c0, _CW)], ibufs[t], sems[t])
    pltpu.async_copy(
        src_hbm.at[pl.ds(piece * _S, _S), pl.ds(c0, _CW)], sbufs[t], sems[t])

  def wait(piece, t):
    pltpu.make_async_copy(
        idx_hbm.at[pl.ds(piece * _S, _S), pl.ds(c0, _CW)],
        ibufs[t], sems[t]).wait()
    pltpu.make_async_copy(
        src_hbm.at[pl.ds(piece * _S, _S), pl.ds(c0, _CW)],
        sbufs[t], sems[t]).wait()

  def consume(r0, t):
    ib = ibufs[t]
    sb = sbufs[t]

    @plsc.parallel_loop(0, _S, unroll=16)
    def row(r):
      iv = ib[r]
      sv = sb[r]
      loc = iv - r0
      msk = plsc.bitcast(loc, jnp.uint32) < jnp.uint32(_R)
      plsc.addupdate_scatter(acc, [loc, lanes], sv, mask=msk)

  def chunk(ch, carry):
    r0 = rp * _RPR + ch * _R

    def triple(j, c2):
      p = 3 * j
      for t in range(_NB):
        wait(p + t, t)
        consume(r0, t)

        @pl.when(p + t + _NB < _NP)
        def _():
          start(p + t + _NB, t)
      return c2

    lax.fori_loop(0, (_NP - 1) // _NB, triple, 0)
    wait(_NP - 1, (_NP - 1) % _NB)
    consume(r0, (_NP - 1) % _NB)

    for t in range(_NB):
      start(t, t)

    h = _R // 2
    r1 = r0 + _R
    wa = pltpu.make_async_copy(
        acc.at[pl.ds(0, h), :], out_hbm.at[pl.ds(r0, h), pl.ds(c0, _CW)],
        semw0)
    wb = pltpu.make_async_copy(
        acc.at[pl.ds(h, h), :], out_hbm.at[pl.ds(r0 + h, h), pl.ds(c0, _CW)],
        semw1)
    wa.start()
    wb.start()
    wa.wait()

    @pl.when(ch + 1 < _NCH)
    def _():
      pltpu.sync_copy(inp_hbm.at[pl.ds(r1, h), pl.ds(c0, _CW)],
                      acc.at[pl.ds(0, h), :])
    wb.wait()

    @pl.when(ch + 1 < _NCH)
    def _():
      pltpu.sync_copy(inp_hbm.at[pl.ds(r1 + h, h), pl.ds(c0, _CW)],
                      acc.at[pl.ds(h, h), :])
    return carry

  for t in range(_NB):
    start(t, t)
  pltpu.sync_copy(inp_hbm.at[pl.ds(rp * _RPR, _R), pl.ds(c0, _CW)], acc)
  lax.fori_loop(0, _NCH, chunk, 0)
  for t in range(_NB):
    wait(t, t)


@jax.jit
def _scatter_add(inp, idx, src):
  mesh = plsc.VectorSubcoreMesh(core_axis_name="c", subcore_axis_name="s")
  run = pl.kernel(
      _body,
      out_type=jax.ShapeDtypeStruct((_M, _D), jnp.float32),
      mesh=mesh,
      compiler_params=pltpu.CompilerParams(use_tc_tiling_on_sc=False,
                                           needs_layout_passes=False),
      scratch_types=[
          pltpu.VMEM((_R, _CW), jnp.float32),
          pltpu.VMEM((_S, _CW), jnp.int32),
          pltpu.VMEM((_S, _CW), jnp.int32),
          pltpu.VMEM((_S, _CW), jnp.int32),
          pltpu.VMEM((_S, _CW), jnp.float32),
          pltpu.VMEM((_S, _CW), jnp.float32),
          pltpu.VMEM((_S, _CW), jnp.float32),
          pltpu.SemaphoreType.DMA,
          pltpu.SemaphoreType.DMA,
          pltpu.SemaphoreType.DMA,
          pltpu.SemaphoreType.DMA,
          pltpu.SemaphoreType.DMA,
      ],
  )
  return run(inp, idx, src)


def kernel(input, dim, index, src):
  idx = (index + dim).astype(jnp.int32)
  return _scatter_add(input, idx, src)

# --- scband reference (transcript-rebuilt; emitter-appended) ---
"""Pipeline reference for scband-scatter-reduce-82884278879220 (READ-ONLY COPY).

The authoritative reference and input builder live on the scoring server;
editing this copy changes nothing except your own understanding.
"""

import jax, jax.numpy as jnp
import numpy as np

M, D, B = 100000, 128, 16384

def setup_inputs(seed: int = 0) -> dict:
    key = jax.random.key(seed)
    k1, k2, k3 = jax.random.split(key, 3)
    inp = jax.random.normal(k1, (M, D), dtype=jnp.float32)
    src = jax.random.normal(k2, (B, D), dtype=jnp.float32)
    index = jax.random.randint(k3, (B, D), 0, M, dtype=jnp.int64)
    return {"input": inp, "dim": 0, "index": index, "src": src}

def reference(input, dim, index, src):
    # torch.scatter_reduce(input, dim=0, index, src, reduce='sum', include_self=True)
    # index has same shape as src; element src[i, j] accumulates into out[index[i, j], j].
    cols = jnp.broadcast_to(jnp.arange(input.shape[1], dtype=jnp.int64)[None, :], index.shape)
    out = input.at[index + dim, cols].add(src)
    return out

if __name__ == "__main__":
    import jax
    _d = setup_inputs()
    print(jax.jit(kernel)(*tuple(_d.values())))

</pallas_src>

<mosaic_0001>
#map = affine_map<(d0, d1) -> (0, 0)>
module attributes {stable_mosaic.version = 14 : i64} {
  func.func @_body(%arg0: i32, %arg1: i32, %arg2: memref<100000x128xf32, #tpu.memory_space<hbm>>, %arg3: memref<16384x128xi32, #tpu.memory_space<hbm>>, %arg4: memref<16384x128xf32, #tpu.memory_space<hbm>>, %arg5: memref<100000x128xf32, #tpu.memory_space<hbm>>, %arg6: memref<6250x16xf32, #tpu.memory_space<vmem>>, %arg7: memref<256x16xi32, #tpu.memory_space<vmem>>, %arg8: memref<256x16xi32, #tpu.memory_space<vmem>>, %arg9: memref<256x16xi32, #tpu.memory_space<vmem>>, %arg10: memref<256x16xf32, #tpu.memory_space<vmem>>, %arg11: memref<256x16xf32, #tpu.memory_space<vmem>>, %arg12: memref<256x16xf32, #tpu.memory_space<vmem>>, %arg13: memref<!tpu.dma_semaphore, #tpu.memory_space<semaphore_mem>>, %arg14: memref<!tpu.dma_semaphore, #tpu.memory_space<semaphore_mem>>, %arg15: memref<!tpu.dma_semaphore, #tpu.memory_space<semaphore_mem>>, %arg16: memref<!tpu.dma_semaphore, #tpu.memory_space<semaphore_mem>>, %arg17: memref<!tpu.dma_semaphore, #tpu.memory_space<semaphore_mem>>) attributes {dimension_semantics = [#tpu.dimension_semantics<core_parallel>, #tpu.dimension_semantics<subcore_parallel>], iteration_bounds = array<i64: 2, 16>, scalar_prefetch = 0 : i64, scratch_operands = 12 : i64, tpu.core_type = #tpu.core_type<sc_vector_subcore>, window_params = [{transform_indices = #map}, {transform_indices = #map}, {transform_indices = #map}, {transform_indices = #map}]} {
    %mul3A = arith.constant 2 : i32
    %mul3A_0 = arith.muli %arg1, %mul3A : i32
    %add3A = arith.addi %mul3A_0, %arg0 : i32
    %jit3A = arith.constant 8 : i32
    %eq3A = arith.constant 0 : i32
    %eq3A_1 = arith.cmpi eq, %jit3A, %eq3A : i32
    %jit3A_2 = arith.constant 1 : i32
    %select_n3A = arith.select %eq3A_1, %jit3A_2, %jit3A : i32
    %rem3A = arith.remsi %add3A, %select_n3A : i32
    %ne3A = arith.constant 0 : i32
    %ne3A_3 = arith.cmpi ne, %rem3A, %ne3A : i32
    %lt3A = arith.constant 0 : i32
    %lt3A_4 = arith.cmpi slt, %rem3A, %lt3A : i32
    %lt3A_5 = arith.constant 0 : i32
    %lt3A_6 = arith.cmpi slt, %select_n3A, %lt3A_5 : i32
    %ne3A_7 = arith.xori %lt3A_4, %lt3A_6 : i1
    %and3A = arith.andi %ne3A_7, %ne3A_3 : i1
    %add3A_8 = arith.addi %rem3A, %select_n3A : i32
    %select_n3A_9 = arith.select %and3A, %add3A_8, %rem3A : i32
    %jit3A_10 = arith.constant 8 : i32
    %div3A = arith.divsi %add3A, %jit3A_10 : i32
    %sign3A = arith.constant 0 : i32
    %sign3A_11 = arith.cmpi sgt, %add3A, %sign3A : i32
    %sign3A_12 = arith.extui %sign3A_11 : i1 to i32
    %sign3A_13 = arith.constant 0 : i32
    %sign3A_14 = arith.cmpi slt, %add3A, %sign3A_13 : i32
    %sign3A_15 = arith.extui %sign3A_14 : i1 to i32
    %sign3A_16 = arith.subi %sign3A_12, %sign3A_15 : i32
    %sign3A_17 = arith.constant 0 : i32
    %sign3A_18 = arith.cmpi sgt, %jit3A_10, %sign3A_17 : i32
    %sign3A_19 = arith.extui %sign3A_18 : i1 to i32
    %sign3A_20 = arith.constant 0 : i32
    %sign3A_21 = arith.cmpi slt, %jit3A_10, %sign3A_20 : i32
    %sign3A_22 = arith.extui %sign3A_21 : i1 to i32
    %sign3A_23 = arith.subi %sign3A_19, %sign3A_22 : i32
    %ne3A_24 = arith.cmpi ne, %sign3A_16, %sign3A_23 : i32
    %rem3A_25 = arith.remsi %add3A, %jit3A_10 : i32
    %ne3A_26 = arith.constant 0 : i32
    %ne3A_27 = arith.cmpi ne, %rem3A_25, %ne3A_26 : i32
    %and3A_28 = arith.andi %ne3A_24, %ne3A_27 : i1
    %sub3A = arith.constant 1 : i32
    %sub3A_29 = arith.subi %div3A, %sub3A : i32
    %select_n3A_30 = arith.select %and3A_28, %sub3A_29, %div3A : i32
    %mul3A_31 = arith.constant 16 : i32
    %mul3A_32 = arith.muli %select_n3A_9, %mul3A_31 : i32
    %iota3A = tpu.iota {dimensions = array<i32: 0>} : vector<16xi32>
    %dma_start3A = arith.constant 0 : i32
    %dma_start3A_33 = tpu.memref_slice %arg3[%dma_start3A, %mul3A_32] : memref<16384x128xi32, #tpu.memory_space<hbm>> -> memref<256x16xi32, #tpu.memory_space<hbm>>
    %dma_start3A_34 = arith.constant 0 : i32
    %dma_start3A_35 = tpu.memref_slice %arg3[%dma_start3A_34, %mul3A_32] : memref<16384x128xi32, #tpu.memory_space<hbm>> -> memref<256x16xi32, #tpu.memory_space<hbm>>
    tpu.enqueue_dma source(%dma_start3A_35 : memref<256x16xi32, #tpu.memory_space<hbm>>) target(%arg7 : memref<256x16xi32, #tpu.memory_space<vmem>>) target_semaphore(%arg13 : memref<!tpu.dma_semaphore, #tpu.memory_space<semaphore_mem>>)
    %dma_start3A_36 = arith.constant 0 : i32
    %dma_start3A_37 = tpu.memref_slice %arg4[%dma_start3A_36, %mul3A_32] : memref<16384x128xf32, #tpu.memory_space<hbm>> -> memref<256x16xf32, #tpu.memory_space<hbm>>
    %dma_start3A_38 = arith.constant 0 : i32
    %dma_start3A_39 = tpu.memref_slice %arg4[%dma_start3A_38, %mul3A_32] : memref<16384x128xf32, #tpu.memory_space<hbm>> -> memref<256x16xf32, #tpu.memory_space<hbm>>
    tpu.enqueue_dma source(%dma_start3A_39 : memref<256x16xf32, #tpu.memory_space<hbm>>) target(%arg10 : memref<256x16xf32, #tpu.memory_space<vmem>>) target_semaphore(%arg13 : memref<!tpu.dma_semaphore, #tpu.memory_space<semaphore_mem>>)
    %dma_start3A_40 = arith.constant 256 : i32
    %dma_start3A_41 = tpu.memref_slice %arg3[%dma_start3A_40, %mul3A_32] : memref<16384x128xi32, #tpu.memory_space<hbm>> -> memref<256x16xi32, #tpu.memory_space<hbm>>
    %dma_start3A_42 = arith.constant 256 : i32
    %dma_start3A_43 = tpu.memref_slice %arg3[%dma_start3A_42, %mul3A_32] : memref<16384x128xi32, #tpu.memory_space<hbm>> -> memref<256x16xi32, #tpu.memory_space<hbm>>
    tpu.enqueue_dma source(%dma_start3A_43 : memref<256x16xi32, #tpu.memory_space<hbm>>) target(%arg8 : memref<256x16xi32, #tpu.memory_space<vmem>>) target_semaphore(%arg14 : memref<!tpu.dma_semaphore, #tpu.memory_space<semaphore_mem>>)
    %dma_start3A_44 = arith.constant 256 : i32
    %dma_start3A_45 = tpu.memref_slice %arg4[%dma_start3A_44, %mul3A_32] : memref<16384x128xf32, #tpu.memory_space<hbm>> -> memref<256x16xf32, #tpu.memory_space<hbm>>
    %dma_start3A_46 = arith.constant 256 : i32
    %dma_start3A_47 = tpu.memref_slice %arg4[%dma_start3A_46, %mul3A_32] : memref<16384x128xf32, #tpu.memory_space<hbm>> -> memref<256x16xf32, #tpu.memory_space<hbm>>
    tpu.enqueue_dma source(%dma_start3A_47 : memref<256x16xf32, #tpu.memory_space<hbm>>) target(%arg11 : memref<256x16xf32, #tpu.memory_space<vmem>>) target_semaphore(%arg14 : memref<!tpu.dma_semaphore, #tpu.memory_space<semaphore_mem>>)
    %dma_start3A_48 = arith.constant 512 : i32
    %dma_start3A_49 = tpu.memref_slice %arg3[%dma_start3A_48, %mul3A_32] : memref<16384x128xi32, #tpu.memory_space<hbm>> -> memref<256x16xi32, #tpu.memory_space<hbm>>
    %dma_start3A_50 = arith.constant 512 : i32
    %dma_start3A_51 = tpu.memref_slice %arg3[%dma_start3A_50, %mul3A_32] : memref<16384x128xi32, #tpu.memory_space<hbm>> -> memref<256x16xi32, #tpu.memory_space<hbm>>
    tpu.enqueue_dma source(%dma_start3A_51 : memref<256x16xi32, #tpu.memory_space<hbm>>) target(%arg9 : memref<256x16xi32, #tpu.memory_space<vmem>>) target_semaphore(%arg15 : memref<!tpu.dma_semaphore, #tpu.memory_space<semaphore_mem>>)
    %dma_start3A_52 = arith.constant 512 : i32
    %dma_start3A_53 = tpu.memref_slice %arg4[%dma_start3A_52, %mul3A_32] : memref<16384x128xf32, #tpu.memory_space<hbm>> -> memref<256x16xf32, #tpu.memory_space<hbm>>
    %dma_start3A_54 = arith.constant 512 : i32
    %dma_start3A_55 = tpu.memref_slice %arg4[%dma_start3A_54, %mul3A_32] : memref<16384x128xf32, #tpu.memory_space<hbm>> -> memref<256x16xf32, #tpu.memory_space<hbm>>
    tpu.enqueue_dma source(%dma_start3A_55 : memref<256x16xf32, #tpu.memory_space<hbm>>) target(%arg12 : memref<256x16xf32, #tpu.memory_space<vmem>>) target_semaphore(%arg15 : memref<!tpu.dma_semaphore, #tpu.memory_space<semaphore_mem>>)
    %mul3A_56 = arith.constant 25000 : i32
    %mul3A_57 = arith.muli %select_n3A_30, %mul3A_56 : i32
    "tpu.region"() ({
      %run_scoped3A = tpu.sem_alloc : memref<!tpu.dma_semaphore, #tpu.memory_space<semaphore_mem>>
      %dma_start3A_86 = tpu.memref_slice %arg2[%mul3A_57, %mul3A_32] : memref<100000x128xf32, #tpu.memory_space<hbm>> -> memref<6250x16xf32, #tpu.memory_space<hbm>>
      %dma_start3A_87 = tpu.memref_slice %arg2[%mul3A_57, %mul3A_32] : memref<100000x128xf32, #tpu.memory_space<hbm>> -> memref<6250x16xf32, #tpu.memory_space<hbm>>
      tpu.enqueue_dma source(%dma_start3A_87 : memref<6250x16xf32, #tpu.memory_space<hbm>>) target(%arg6 : memref<6250x16xf32, #tpu.memory_space<vmem>>) target_semaphore(%run_scoped3A : memref<!tpu.dma_semaphore, #tpu.memory_space<semaphore_mem>>)
      %dma_wait3A_88 = tpu.memref_slice %arg2[%mul3A_57, %mul3A_32] : memref<100000x128xf32, #tpu.memory_space<hbm>> -> memref<6250x16xf32, #tpu.memory_space<hbm>>
      %dma_wait3A_89 = tpu.memref_slice %arg2[%mul3A_57, %mul3A_32] : memref<100000x128xf32, #tpu.memory_space<hbm>> -> memref<6250x16xf32, #tpu.memory_space<hbm>>
      tpu.wait_dma2 semaphore(%run_scoped3A : memref<!tpu.dma_semaphore, #tpu.memory_space<semaphore_mem>>) src(%dma_wait3A_89 : memref<6250x16xf32, #tpu.memory_space<hbm>>) dst(%arg6 : memref<6250x16xf32, #tpu.memory_space<vmem>>)
      tpu.yield
    }) : () -> ()
    %scan3A = arith.constant 0 : i32
    %scan3A_58 = arith.constant 0 : i32
    %scan3A_59 = arith.constant 4 : i32
    %scan3A_60 = arith.addi %scan3A_58, %scan3A_59 : i32
    %scan3A_61 = arith.constant 1 : i32
    scf.for %scan3A_86 = %scan3A_58 to %scan3A_60 step %scan3A_61  : i32 {
      %mul3A_87 = arith.constant 25000 : i32
      %mul3A_88 = arith.muli %select_n3A_30, %mul3A_87 : i32
      %mul3A_89 = arith.constant 6250 : i32
      %mul3A_90 = arith.muli %scan3A_86, %mul3A_89 : i32
      %add3A_91 = arith.addi %mul3A_88, %mul3A_90 : i32
      %scan3A_92 = arith.constant 0 : i32
      %scan3A_93 = arith.constant 0 : i32
      %scan3A_94 = arith.constant 21 : i32
      %scan3A_95 = arith.addi %scan3A_93, %scan3A_94 : i32
      %scan3A_96 = arith.constant 1 : i32
      scf.for %scan3A_180 = %scan3A_93 to %scan3A_95 step %scan3A_96  : i32 {
        %mul3A_181 = arith.constant 3 : i32
        %mul3A_182 = arith.muli %mul3A_181, %scan3A_180 : i32
        %add3A_183 = arith.constant 0 : i32
        %add3A_184 = arith.addi %mul3A_182, %add3A_183 : i32
        %mul3A_185 = arith.constant 256 : i32
        %mul3A_186 = arith.muli %add3A_184, %mul3A_185 : i32
        %dma_wait3A_187 = tpu.memref_slice %arg3[%mul3A_186, %mul3A_32] : memref<16384x128xi32, #tpu.memory_space<hbm>> -> memref<256x16xi32, #tpu.memory_space<hbm>>
        %dma_wait3A_188 = tpu.memref_slice %arg3[%mul3A_186, %mul3A_32] : memref<16384x128xi32, #tpu.memory_space<hbm>> -> memref<256x16xi32, #tpu.memory_space<hbm>>
        tpu.wait_dma2 semaphore(%arg13 : memref<!tpu.dma_semaphore, #tpu.memory_space<semaphore_mem>>) src(%dma_wait3A_188 : memref<256x16xi32, #tpu.memory_space<hbm>>) dst(%arg7 : memref<256x16xi32, #tpu.memory_space<vmem>>)
        %mul3A_189 = arith.constant 256 : i32
        %mul3A_190 = arith.muli %add3A_184, %mul3A_189 : i32
        %dma_wait3A_191 = tpu.memref_slice %arg4[%mul3A_190, %mul3A_32] : memref<16384x128xf32, #tpu.memory_space<hbm>> -> memref<256x16xf32, #tpu.memory_space<hbm>>
        %dma_wait3A_192 = tpu.memref_slice %arg4[%mul3A_190, %mul3A_32] : memref<16384x128xf32, #tpu.memory_space<hbm>> -> memref<256x16xf32, #tpu.memory_space<hbm>>
        tpu.wait_dma2 semaphore(%arg13 : memref<!tpu.dma_semaphore, #tpu.memory_space<semaphore_mem>>) src(%dma_wait3A_192 : memref<256x16xf32, #tpu.memory_space<hbm>>) dst(%arg10 : memref<256x16xf32, #tpu.memory_space<vmem>>)
        %parallel_loop3A_193 = arith.constant 0 : i32
        %parallel_loop3A_194 = arith.constant 256 : i32
        %parallel_loop3A_195 = arith.constant 1 : i32
        scf.for %parallel_loop3A_249 = %parallel_loop3A_193 to %parallel_loop3A_194 step %parallel_loop3A_195  : i32 {
          %parallel_loop3A_250 = arith.index_cast %parallel_loop3A_249 : i32 to index
          %parallel_loop3A_251 = arith.constant 0 : index
          %parallel_loop3A_252 = tpu.vector_load %arg7[%parallel_loop3A_250, %parallel_loop3A_251] {strides = array<i32>} : memref<256x16xi32, #tpu.memory_space<vmem>>, vector<16xi32>,
          %parallel_loop3A_253 = arith.index_cast %parallel_loop3A_249 : i32 to index
          %parallel_loop3A_254 = arith.constant 0 : index
          %parallel_loop3A_255 = tpu.vector_load %arg10[%parallel_loop3A_253, %parallel_loop3A_254] {strides = array<i32>} : memref<256x16xf32, #tpu.memory_space<vmem>>, vector<16xf32>,
          %parallel_loop3A_256 = vector.broadcast %add3A_91 : i32 to vector<16xi32>
          %parallel_loop3A_257 = arith.subi %parallel_loop3A_252, %parallel_loop3A_256 : vector<16xi32>
          %parallel_loop3A_258 = vector.bitcast %parallel_loop3A_257 : vector<16xi32> to vector<16xi32>
          %parallel_loop3A_259 = arith.constant 6250 : i32
          %parallel_loop3A_260 = vector.broadcast %parallel_loop3A_259 : i32 to vector<16xi32>
          %parallel_loop3A_261 = arith.cmpi ult, %parallel_loop3A_258, %parallel_loop3A_260 : vector<16xi32>
          tpu.vector_store_idx %arg6[%parallel_loop3A_257, %iota3A], %parallel_loop3A_255 masked %parallel_loop3A_261 {add = true} : memref<6250x16xf32, #tpu.memory_space<vmem>>[vector<16xi32>, vector<16xi32>], vector<16xf32>, vector<16xi1>
        } {sc.loop_unroll_factor = 16 : i64, sc.parallel_access}
        %add3A_196 = arith.constant 0 : i32
        %add3A_197 = arith.addi %mul3A_182, %add3A_196 : i32
        %add3A_198 = arith.constant 3 : i32
        %add3A_199 = arith.addi %add3A_197, %add3A_198 : i32
        %lt3A_200 = arith.constant 64 : i32
        %lt3A_201 = arith.cmpi slt, %add3A_199, %lt3A_200 : i32
        %convert_element_type3A_202 = arith.extui %lt3A_201 : i1 to i32
        %cond3A_203 = arith.constant 0 : i32
        %cond3A_204 = arith.cmpi ne, %convert_element_type3A_202, %cond3A_203 : i32
        scf.if %cond3A_204 {
          %add3A_249 = arith.constant 0 : i32
          %add3A_250 = arith.addi %mul3A_182, %add3A_249 : i32
          %add3A_251 = arith.constant 3 : i32
          %add3A_252 = arith.addi %add3A_250, %add3A_251 : i32
          %mul3A_253 = arith.constant 256 : i32
          %mul3A_254 = arith.muli %add3A_252, %mul3A_253 : i32
          %dma_start3A_255 = tpu.memref_slice %arg3[%mul3A_254, %mul3A_32] : memref<16384x128xi32, #tpu.memory_space<hbm>> -> memref<256x16xi32, #tpu.memory_space<hbm>>
          %dma_start3A_256 = tpu.memref_slice %arg3[%mul3A_254, %mul3A_32] : memref<16384x128xi32, #tpu.memory_space<hbm>> -> memref<256x16xi32, #tpu.memory_space<hbm>>
          tpu.enqueue_dma source(%dma_start3A_256 : memref<256x16xi32, #tpu.memory_space<hbm>>) target(%arg7 : memref<256x16xi32, #tpu.memory_space<vmem>>) target_semaphore(%arg13 : memref<!tpu.dma_semaphore, #tpu.memory_space<semaphore_mem>>)
          %mul3A_257 = arith.constant 256 : i32
          %mul3A_258 = arith.muli %add3A_252, %mul3A_257 : i32
          %dma_start3A_259 = tpu.memref_slice %arg4[%mul3A_258, %mul3A_32] : memref<16384x128xf32, #tpu.memory_space<hbm>> -> memref<256x16xf32, #tpu.memory_space<hbm>>
          %dma_start3A_260 = tpu.memref_slice %arg4[%mul3A_258, %mul3A_32] : memref<16384x128xf32, #tpu.memory_space<hbm>> -> memref<256x16xf32, #tpu.memory_space<hbm>>
          tpu.enqueue_dma source(%dma_start3A_260 : memref<256x16xf32, #tpu.memory_space<hbm>>) target(%arg10 : memref<256x16xf32, #tpu.memory_space<vmem>>) target_semaphore(%arg13 : memref<!tpu.dma_semaphore, #tpu.memory_space<semaphore_mem>>)
        } else {
        }
        %add3A_205 = arith.constant 1 : i32
        %add3A_206 = arith.addi %mul3A_182, %add3A_205 : i32
        %mul3A_207 = arith.constant 256 : i32
        %mul3A_208 = arith.muli %add3A_206, %mul3A_207 : i32
        %dma_wait3A_209 = tpu.memref_slice %arg3[%mul3A_208, %mul3A_32] : memref<16384x128xi32, #tpu.memory_space<hbm>> -> memref<256x16xi32, #tpu.memory_space<hbm>>
        %dma_wait3A_210 = tpu.memref_slice %arg3[%mul3A_208, %mul3A_32] : memref<16384x128xi32, #tpu.memory_space<hbm>> -> memref<256x16xi32, #tpu.memory_space<hbm>>
        tpu.wait_dma2 semaphore(%arg14 : memref<!tpu.dma_semaphore, #tpu.memory_space<semaphore_mem>>) src(%dma_wait3A_210 : memref<256x16xi32, #tpu.memory_space<hbm>>) dst(%arg8 : memref<256x16xi32, #tpu.memory_space<vmem>>)
        %mul3A_211 = arith.constant 256 : i32
        %mul3A_212 = arith.muli %add3A_206, %mul3A_211 : i32
        %dma_wait3A_213 = tpu.memref_slice %arg4[%mul3A_212, %mul3A_32] : memref<16384x128xf32, #tpu.memory_space<hbm>> -> memref<256x16xf32, #tpu.memory_space<hbm>>
        %dma_wait3A_214 = tpu.memref_slice %arg4[%mul3A_212, %mul3A_32] : memref<16384x128xf32, #tpu.memory_space<hbm>> -> memref<256x16xf32, #tpu.memory_space<hbm>>
        tpu.wait_dma2 semaphore(%arg14 : memref<!tpu.dma_semaphore, #tpu.memory_space<semaphore_mem>>) src(%dma_wait3A_214 : memref<256x16xf32, #tpu.memory_space<hbm>>) dst(%arg11 : memref<256x16xf32, #tpu.memory_space<vmem>>)
        %parallel_loop3A_215 = arith.constant 0 : i32
        %parallel_loop3A_216 = arith.constant 256 : i32
        %parallel_loop3A_217 = arith.constant 1 : i32
        scf.for %parallel_loop3A_249 = %parallel_loop3A_215 to %parallel_loop3A_216 step %parallel_loop3A_217  : i32 {
          %parallel_loop3A_250 = arith.index_cast %parallel_loop3A_249 : i32 to index
          %parallel_loop3A_251 = arith.constant 0 : index
          %parallel_loop3A_252 = tpu.vector_load %arg8[%parallel_loop3A_250, %parallel_loop3A_251] {strides = array<i32>} : memref<256x16xi32, #tpu.memory_space<vmem>>, vector<16xi32>,
          %parallel_loop3A_253 = arith.index_cast %parallel_loop3A_249 : i32 to index
          %parallel_loop3A_254 = arith.constant 0 : index
          %parallel_loop3A_255 = tpu.vector_load %arg11[%parallel_loop3A_253, %parallel_loop3A_254] {strides = array<i32>} : memref<256x16xf32, #tpu.memory_space<vmem>>, vector<16xf32>,
          %parallel_loop3A_256 = vector.broadcast %add3A_91 : i32 to vector<16xi32>
          %parallel_loop3A_257 = arith.subi %parallel_loop3A_252, %parallel_loop3A_256 : vector<16xi32>
          %parallel_loop3A_258 = vector.bitcast %parallel_loop3A_257 : vector<16xi32> to vector<16xi32>
          %parallel_loop3A_259 = arith.constant 6250 : i32
          %parallel_loop3A_260 = vector.broadcast %parallel_loop3A_259 : i32 to vector<16xi32>
          %parallel_loop3A_261 = arith.cmpi ult, %parallel_loop3A_258, %parallel_loop3A_260 : vector<16xi32>
          tpu.vector_store_idx %arg6[%parallel_loop3A_257, %iota3A], %parallel_loop3A_255 masked %parallel_loop3A_261 {add = true} : memref<6250x16xf32, #tpu.memory_space<vmem>>[vector<16xi32>, vector<16xi32>], vector<16xf32>, vector<16xi1>
        } {sc.loop_unroll_factor = 16 : i64, sc.parallel_access}
        %add3A_218 = arith.constant 1 : i32
        %add3A_219 = arith.addi %mul3A_182, %add3A_218 : i32
        %add3A_220 = arith.constant 3 : i32
        %add3A_221 = arith.addi %add3A_219, %add3A_220 : i32
        %lt3A_222 = arith.constant 64 : i32
        %lt3A_223 = arith.cmpi slt, %add3A_221, %lt3A_222 : i32
        %convert_element_type3A_224 = arith.extui %lt3A_223 : i1 to i32
        %cond3A_225 = arith.constant 0 : i32
        %cond3A_226 = arith.cmpi ne, %convert_element_type3A_224, %cond3A_225 : i32
        scf.if %cond3A_226 {
          %add3A_249 = arith.constant 1 : i32
          %add3A_250 = arith.addi %mul3A_182, %add3A_249 : i32
          %add3A_251 = arith.constant 3 : i32
          %add3A_252 = arith.addi %add3A_250, %add3A_251 : i32
          %mul3A_253 = arith.constant 256 : i32
          %mul3A_254 = arith.muli %add3A_252, %mul3A_253 : i32
          %dma_start3A_255 = tpu.memref_slice %arg3[%mul3A_254, %mul3A_32] : memref<16384x128xi32, #tpu.memory_space<hbm>> -> memref<256x16xi32, #tpu.memory_space<hbm>>
          %dma_start3A_256 = tpu.memref_slice %arg3[%mul3A_254, %mul3A_32] : memref<16384x128xi32, #tpu.memory_space<hbm>> -> memref<256x16xi32, #tpu.memory_space<hbm>>
          tpu.enqueue_dma source(%dma_start3A_256 : memref<256x16xi32, #tpu.memory_space<hbm>>) target(%arg8 : memref<256x16xi32, #tpu.memory_space<vmem>>) target_semaphore(%arg14 : memref<!tpu.dma_semaphore, #tpu.memory_space<semaphore_mem>>)
          %mul3A_257 = arith.constant 256 : i32
          %mul3A_258 = arith.muli %add3A_252, %mul3A_257 : i32
          %dma_start3A_259 = tpu.memref_slice %arg4[%mul3A_258, %mul3A_32] : memref<16384x128xf32, #tpu.memory_space<hbm>> -> memref<256x16xf32, #tpu.memory_space<hbm>>
          %dma_start3A_260 = tpu.memref_slice %arg4[%mul3A_258, %mul3A_32] : memref<16384x128xf32, #tpu.memory_space<hbm>> -> memref<256x16xf32, #tpu.memory_space<hbm>>
          tpu.enqueue_dma source(%dma_start3A_260 : memref<256x16xf32, #tpu.memory_space<hbm>>) target(%arg11 : memref<256x16xf32, #tpu.memory_space<vmem>>) target_semaphore(%arg14 : memref<!tpu.dma_semaphore, #tpu.memory_space<semaphore_mem>>)
        } else {
        }
        %add3A_227 = arith.constant 2 : i32
        %add3A_228 = arith.addi %mul3A_182, %add3A_227 : i32
        %mul3A_229 = arith.constant 256 : i32
        %mul3A_230 = arith.muli %add3A_228, %mul3A_229 : i32
        %dma_wait3A_231 = tpu.memref_slice %arg3[%mul3A_230, %mul3A_32] : memref<16384x128xi32, #tpu.memory_space<hbm>> -> memref<256x16xi32, #tpu.memory_space<hbm>>
        %dma_wait3A_232 = tpu.memref_slice %arg3[%mul3A_230, %mul3A_32] : memref<16384x128xi32, #tpu.memory_space<hbm>> -> memref<256x16xi32, #tpu.memory_space<hbm>>
        tpu.wait_dma2 semaphore(%arg15 : memref<!tpu.dma_semaphore, #tpu.memory_space<semaphore_mem>>) src(%dma_wait3A_232 : memref<256x16xi32, #tpu.memory_space<hbm>>) dst(%arg9 : memref<256x16xi32, #tpu.memory_space<vmem>>)
        %mul3A_233 = arith.constant 256 : i32
        %mul3A_234 = arith.muli %add3A_228, %mul3A_233 : i32
        %dma_wait3A_235 = tpu.memref_slice %arg4[%mul3A_234, %mul3A_32] : memref<16384x128xf32, #tpu.memory_space<hbm>> -> memref<256x16xf32, #tpu.memory_space<hbm>>
        %dma_wait3A_236 = tpu.memref_slice %arg4[%mul3A_234, %mul3A_32] : memref<16384x128xf32, #tpu.memory_space<hbm>> -> memref<256x16xf32, #tpu.memory_space<hbm>>
        tpu.wait_dma2 semaphore(%arg15 : memref<!tpu.dma_semaphore, #tpu.memory_space<semaphore_mem>>) src(%dma_wait3A_236 : memref<256x16xf32, #tpu.memory_space<hbm>>) dst(%arg12 : memref<256x16xf32, #tpu.memory_space<vmem>>)
        %parallel_loop3A_237 = arith.constant 0 : i32
        %parallel_loop3A_238 = arith.constant 256 : i32
        %parallel_loop3A_239 = arith.constant 1 : i32
        scf.for %parallel_loop3A_249 = %parallel_loop3A_237 to %parallel_loop3A_238 step %parallel_loop3A_239  : i32 {
          %parallel_loop3A_250 = arith.index_cast %parallel_loop3A_249 : i32 to index
          %parallel_loop3A_251 = arith.constant 0 : index
          %parallel_loop3A_252 = tpu.vector_load %arg9[%parallel_loop3A_250, %parallel_loop3A_251] {strides = array<i32>} : memref<256x16xi32, #tpu.memory_space<vmem>>, vector<16xi32>,
          %parallel_loop3A_253 = arith.index_cast %parallel_loop3A_249 : i32 to index
          %parallel_loop3A_254 = arith.constant 0 : index
          %parallel_loop3A_255 = tpu.vector_load %arg12[%parallel_loop3A_253, %parallel_loop3A_254] {strides = array<i32>} : memref<256x16xf32, #tpu.memory_space<vmem>>, vector<16xf32>,
          %parallel_loop3A_256 = vector.broadcast %add3A_91 : i32 to vector<16xi32>
          %parallel_loop3A_257 = arith.subi %parallel_loop3A_252, %parallel_loop3A_256 : vector<16xi32>
          %parallel_loop3A_258 = vector.bitcast %parallel_loop3A_257 : vector<16xi32> to vector<16xi32>
          %parallel_loop3A_259 = arith.constant 6250 : i32
          %parallel_loop3A_260 = vector.broadcast %parallel_loop3A_259 : i32 to vector<16xi32>
          %parallel_loop3A_261 = arith.cmpi ult, %parallel_loop3A_258, %parallel_loop3A_260 : vector<16xi32>
          tpu.vector_store_idx %arg6[%parallel_loop3A_257, %iota3A], %parallel_loop3A_255 masked %parallel_loop3A_261 {add = true} : memref<6250x16xf32, #tpu.memory_space<vmem>>[vector<16xi32>, vector<16xi32>], vector<16xf32>, vector<16xi1>
        } {sc.loop_unroll_factor = 16 : i64, sc.parallel_access}
        %add3A_240 = arith.constant 2 : i32
        %add3A_241 = arith.addi %mul3A_182, %add3A_240 : i32
        %add3A_242 = arith.constant 3 : i32
        %add3A_243 = arith.addi %add3A_241, %add3A_242 : i32
        %lt3A_244 = arith.constant 64 : i32
        %lt3A_245 = arith.cmpi slt, %add3A_243, %lt3A_244 : i32
        %convert_element_type3A_246 = arith.extui %lt3A_245 : i1 to i32
        %cond3A_247 = arith.constant 0 : i32
        %cond3A_248 = arith.cmpi ne, %convert_element_type3A_246, %cond3A_247 : i32
        scf.if %cond3A_248 {
          %add3A_249 = arith.constant 2 : i32
          %add3A_250 = arith.addi %mul3A_182, %add3A_249 : i32
          %add3A_251 = arith.constant 3 : i32
          %add3A_252 = arith.addi %add3A_250, %add3A_251 : i32
          %mul3A_253 = arith.constant 256 : i32
          %mul3A_254 = arith.muli %add3A_252, %mul3A_253 : i32
          %dma_start3A_255 = tpu.memref_slice %arg3[%mul3A_254, %mul3A_32] : memref<16384x128xi32, #tpu.memory_space<hbm>> -> memref<256x16xi32, #tpu.memory_space<hbm>>
          %dma_start3A_256 = tpu.memref_slice %arg3[%mul3A_254, %mul3A_32] : memref<16384x128xi32, #tpu.memory_space<hbm>> -> memref<256x16xi32, #tpu.memory_space<hbm>>
          tpu.enqueue_dma source(%dma_start3A_256 : memref<256x16xi32, #tpu.memory_space<hbm>>) target(%arg9 : memref<256x16xi32, #tpu.memory_space<vmem>>) target_semaphore(%arg15 : memref<!tpu.dma_semaphore, #tpu.memory_space<semaphore_mem>>)
          %mul3A_257 = arith.constant 256 : i32
          %mul3A_258 = arith.muli %add3A_252, %mul3A_257 : i32
          %dma_start3A_259 = tpu.memref_slice %arg4[%mul3A_258, %mul3A_32] : memref<16384x128xf32, #tpu.memory_space<hbm>> -> memref<256x16xf32, #tpu.memory_space<hbm>>
          %dma_start3A_260 = tpu.memref_slice %arg4[%mul3A_258, %mul3A_32] : memref<16384x128xf32, #tpu.memory_space<hbm>> -> memref<256x16xf32, #tpu.memory_space<hbm>>
          tpu.enqueue_dma source(%dma_start3A_260 : memref<256x16xf32, #tpu.memory_space<hbm>>) target(%arg12 : memref<256x16xf32, #tpu.memory_space<vmem>>) target_semaphore(%arg15 : memref<!tpu.dma_semaphore, #tpu.memory_space<semaphore_mem>>)
        } else {
        }
      }
      %scan3A_97 = arith.constant 21 : i32
      %dma_wait3A_98 = arith.constant 16128 : i32
      %dma_wait3A_99 = tpu.memref_slice %arg3[%dma_wait3A_98, %mul3A_32] : memref<16384x128xi32, #tpu.memory_space<hbm>> -> memref<256x16xi32, #tpu.memory_space<hbm>>
      %dma_wait3A_100 = arith.constant 16128 : i32
      %dma_wait3A_101 = tpu.memref_slice %arg3[%dma_wait3A_100, %mul3A_32] : memref<16384x128xi32, #tpu.memory_space<hbm>> -> memref<256x16xi32, #tpu.memory_space<hbm>>
      tpu.wait_dma2 semaphore(%arg13 : memref<!tpu.dma_semaphore, #tpu.memory_space<semaphore_mem>>) src(%dma_wait3A_101 : memref<256x16xi32, #tpu.memory_space<hbm>>) dst(%arg7 : memref<256x16xi32, #tpu.memory_space<vmem>>)
      %dma_wait3A_102 = arith.constant 16128 : i32
      %dma_wait3A_103 = tpu.memref_slice %arg4[%dma_wait3A_102, %mul3A_32] : memref<16384x128xf32, #tpu.memory_space<hbm>> -> memref<256x16xf32, #tpu.memory_space<hbm>>
      %dma_wait3A_104 = arith.constant 16128 : i32
      %dma_wait3A_105 = tpu.memref_slice %arg4[%dma_wait3A_104, %mul3A_32] : memref<16384x128xf32, #tpu.memory_space<hbm>> -> memref<256x16xf32, #tpu.memory_space<hbm>>
      tpu.wait_dma2 semaphore(%arg13 : memref<!tpu.dma_semaphore, #tpu.memory_space<semaphore_mem>>) src(%dma_wait3A_105 : memref<256x16xf32, #tpu.memory_space<hbm>>) dst(%arg10 : memref<256x16xf32, #tpu.memory_space<vmem>>)
      %parallel_loop3A = arith.constant 0 : i32
      %parallel_loop3A_106 = arith.constant 256 : i32
      %parallel_loop3A_107 = arith.constant 1 : i32
      scf.for %parallel_loop3A_180 = %parallel_loop3A to %parallel_loop3A_106 step %parallel_loop3A_107  : i32 {
        %parallel_loop3A_181 = arith.index_cast %parallel_loop3A_180 : i32 to index
        %parallel_loop3A_182 = arith.constant 0 : index
        %parallel_loop3A_183 = tpu.vector_load %arg7[%parallel_loop3A_181, %parallel_loop3A_182] {strides = array<i32>} : memref<256x16xi32, #tpu.memory_space<vmem>>, vector<16xi32>,
        %parallel_loop3A_184 = arith.index_cast %parallel_loop3A_180 : i32 to index
        %parallel_loop3A_185 = arith.constant 0 : index
        %parallel_loop3A_186 = tpu.vector_load %arg10[%parallel_loop3A_184, %parallel_loop3A_185] {strides = array<i32>} : memref<256x16xf32, #tpu.memory_space<vmem>>, vector<16xf32>,
        %parallel_loop3A_187 = vector.broadcast %add3A_91 : i32 to vector<16xi32>
        %parallel_loop3A_188 = arith.subi %parallel_loop3A_183, %parallel_loop3A_187 : vector<16xi32>
        %parallel_loop3A_189 = vector.bitcast %parallel_loop3A_188 : vector<16xi32> to vector<16xi32>
        %parallel_loop3A_190 = arith.constant 6250 : i32
        %parallel_loop3A_191 = vector.broadcast %parallel_loop3A_190 : i32 to vector<16xi32>
        %parallel_loop3A_192 = arith.cmpi ult, %parallel_loop3A_189, %parallel_loop3A_191 : vector<16xi32>
        tpu.vector_store_idx %arg6[%parallel_loop3A_188, %iota3A], %parallel_loop3A_186 masked %parallel_loop3A_192 {add = true} : memref<6250x16xf32, #tpu.memory_space<vmem>>[vector<16xi32>, vector<16xi32>], vector<16xf32>, vector<16xi1>
      } {sc.loop_unroll_factor = 16 : i64, sc.parallel_access}
      %dma_start3A_108 = arith.constant 0 : i32
      %dma_start3A_109 = tpu.memref_slice %arg3[%dma_start3A_108, %mul3A_32] : memref<16384x128xi32, #tpu.memory_space<hbm>> -> memref<256x16xi32, #tpu.memory_space<hbm>>
      %dma_start3A_110 = arith.constant 0 : i32
      %dma_start3A_111 = tpu.memref_slice %arg3[%dma_start3A_110, %mul3A_32] : memref<16384x128xi32, #tpu.memory_space<hbm>> -> memref<256x16xi32, #tpu.memory_space<hbm>>
      tpu.enqueue_dma source(%dma_start3A_111 : memref<256x16xi32, #tpu.memory_space<hbm>>) target(%arg7 : memref<256x16xi32, #tpu.memory_space<vmem>>) target_semaphore(%arg13 : memref<!tpu.dma_semaphore, #tpu.memory_space<semaphore_mem>>)
      %dma_start3A_112 = arith.constant 0 : i32
      %dma_start3A_113 = tpu.memref_slice %arg4[%dma_start3A_112, %mul3A_32] : memref<16384x128xf32, #tpu.memory_space<hbm>> -> memref<256x16xf32, #tpu.memory_space<hbm>>
      %dma_start3A_114 = arith.constant 0 : i32
      %dma_start3A_115 = tpu.memref_slice %arg4[%dma_start3A_114, %mul3A_32] : memref<16384x128xf32, #tpu.memory_space<hbm>> -> memref<256x16xf32, #tpu.memory_space<hbm>>
      tpu.enqueue_dma source(%dma_start3A_115 : memref<256x16xf32, #tpu.memory_space<hbm>>) target(%arg10 : memref<256x16xf32, #tpu.memory_space<vmem>>) target_semaphore(%arg13 : memref<!tpu.dma_semaphore, #tpu.memory_space<semaphore_mem>>)
      %dma_start3A_116 = arith.constant 256 : i32
      %dma_start3A_117 = tpu.memref_slice %arg3[%dma_start3A_116, %mul3A_32] : memref<16384x128xi32, #tpu.memory_space<hbm>> -> memref<256x16xi32, #tpu.memory_space<hbm>>
      %dma_start3A_118 = arith.constant 256 : i32
      %dma_start3A_119 = tpu.memref_slice %arg3[%dma_start3A_118, %mul3A_32] : memref<16384x128xi32, #tpu.memory_space<hbm>> -> memref<256x16xi32, #tpu.memory_space<hbm>>
      tpu.enqueue_dma source(%dma_start3A_119 : memref<256x16xi32, #tpu.memory_space<hbm>>) target(%arg8 : memref<256x16xi32, #tpu.memory_space<vmem>>) target_semaphore(%arg14 : memref<!tpu.dma_semaphore, #tpu.memory_space<semaphore_mem>>)
      %dma_start3A_120 = arith.constant 256 : i32
      %dma_start3A_121 = tpu.memref_slice %arg4[%dma_start3A_120, %mul3A_32] : memref<16384x128xf32, #tpu.memory_space<hbm>> -> memref<256x16xf32, #tpu.memory_space<hbm>>
      %dma_start3A_122 = arith.constant 256 : i32
      %dma_start3A_123 = tpu.memref_slice %arg4[%dma_start3A_122, %mul3A_32] : memref<16384x128xf32, #tpu.memory_space<hbm>> -> memref<256x16xf32, #tpu.memory_space<hbm>>
      tpu.enqueue_dma source(%dma_start3A_123 : memref<256x16xf32, #tpu.memory_space<hbm>>) target(%arg11 : memref<256x16xf32, #tpu.memory_space<vmem>>) target_semaphore(%arg14 : memref<!tpu.dma_semaphore, #tpu.memory_space<semaphore_mem>>)
      %dma_start3A_124 = arith.constant 512 : i32
      %dma_start3A_125 = tpu.memref_slice %arg3[%dma_start3A_124, %mul3A_32] : memref<16384x128xi32, #tpu.memory_space<hbm>> -> memref<256x16xi32, #tpu.memory_space<hbm>>
      %dma_start3A_126 = arith.constant 512 : i32
      %dma_start3A_127 = tpu.memref_slice %arg3[%dma_start3A_126, %mul3A_32] : memref<16384x128xi32, #tpu.memory_space<hbm>> -> memref<256x16xi32, #tpu.memory_space<hbm>>
      tpu.enqueue_dma source(%dma_start3A_127 : memref<256x16xi32, #tpu.memory_space<hbm>>) target(%arg9 : memref<256x16xi32, #tpu.memory_space<vmem>>) target_semaphore(%arg15 : memref<!tpu.dma_semaphore, #tpu.memory_space<semaphore_mem>>)
      %dma_start3A_128 = arith.constant 512 : i32
      %dma_start3A_129 = tpu.memref_slice %arg4[%dma_start3A_128, %mul3A_32] : memref<16384x128xf32, #tpu.memory_space<hbm>> -> memref<256x16xf32, #tpu.memory_space<hbm>>
      %dma_start3A_130 = arith.constant 512 : i32
      %dma_start3A_131 = tpu.memref_slice %arg4[%dma_start3A_130, %mul3A_32] : memref<16384x128xf32, #tpu.memory_space<hbm>> -> memref<256x16xf32, #tpu.memory_space<hbm>>
      tpu.enqueue_dma source(%dma_start3A_131 : memref<256x16xf32, #tpu.memory_space<hbm>>) target(%arg12 : memref<256x16xf32, #tpu.memory_space<vmem>>) target_semaphore(%arg15 : memref<!tpu.dma_semaphore, #tpu.memory_space<semaphore_mem>>)
      %add3A_132 = arith.constant 6250 : i32
      %add3A_133 = arith.addi %add3A_91, %add3A_132 : i32
      %add3A_134 = arith.constant 3125 : i32
      %add3A_135 = arith.addi %add3A_91, %add3A_134 : i32
      %dma_start3A_136 = arith.constant 0 : i32
      %dma_start3A_137 = arith.constant 0 : i32
      %dma_start3A_138 = tpu.memref_slice %arg6[%dma_start3A_136, %dma_start3A_137] : memref<6250x16xf32, #tpu.memory_space<vmem>> -> memref<3125x16xf32, #tpu.memory_space<vmem>>
      %dma_start3A_139 = tpu.memref_slice %arg5[%add3A_91, %mul3A_32] : memref<100000x128xf32, #tpu.memory_space<hbm>> -> memref<3125x16xf32, #tpu.memory_space<hbm>>
      %dma_start3A_140 = tpu.memref_slice %arg5[%add3A_91, %mul3A_32] : memref<100000x128xf32, #tpu.memory_space<hbm>> -> memref<3125x16xf32, #tpu.memory_space<hbm>>
      %dma_start3A_141 = arith.constant 0 : i32
      %dma_start3A_142 = arith.constant 0 : i32
      %dma_start3A_143 = tpu.memref_slice %arg6[%dma_start3A_141, %dma_start3A_142] : memref<6250x16xf32, #tpu.memory_space<vmem>> -> memref<3125x16xf32, #tpu.memory_space<vmem>>
      tpu.enqueue_dma source(%dma_start3A_143 : memref<3125x16xf32, #tpu.memory_space<vmem>>) target(%dma_start3A_140 : memref<3125x16xf32, #tpu.memory_space<hbm>>) target_semaphore(%arg16 : memref<!tpu.dma_semaphore, #tpu.memory_space<semaphore_mem>>)
      %dma_start3A_144 = arith.constant 3125 : i32
      %dma_start3A_145 = arith.constant 0 : i32
      %dma_start3A_146 = tpu.memref_slice %arg6[%dma_start3A_144, %dma_start3A_145] : memref<6250x16xf32, #tpu.memory_space<vmem>> -> memref<3125x16xf32, #tpu.memory_space<vmem>>
      %dma_start3A_147 = tpu.memref_slice %arg5[%add3A_135, %mul3A_32] : memref<100000x128xf32, #tpu.memory_space<hbm>> -> memref<3125x16xf32, #tpu.memory_space<hbm>>
      %dma_start3A_148 = tpu.memref_slice %arg5[%add3A_135, %mul3A_32] : memref<100000x128xf32, #tpu.memory_space<hbm>> -> memref<3125x16xf32, #tpu.memory_space<hbm>>
      %dma_start3A_149 = arith.constant 3125 : i32
      %dma_start3A_150 = arith.constant 0 : i32
      %dma_start3A_151 = tpu.memref_slice %arg6[%dma_start3A_149, %dma_start3A_150] : memref<6250x16xf32, #tpu.memory_space<vmem>> -> memref<3125x16xf32, #tpu.memory_space<vmem>>
      tpu.enqueue_dma source(%dma_start3A_151 : memref<3125x16xf32, #tpu.memory_space<vmem>>) target(%dma_start3A_148 : memref<3125x16xf32, #tpu.memory_space<hbm>>) target_semaphore(%arg17 : memref<!tpu.dma_semaphore, #tpu.memory_space<semaphore_mem>>)
      %dma_wait3A_152 = arith.constant 0 : i32
      %dma_wait3A_153 = arith.constant 0 : i32
      %dma_wait3A_154 = tpu.memref_slice %arg6[%dma_wait3A_152, %dma_wait3A_153] : memref<6250x16xf32, #tpu.memory_space<vmem>> -> memref<3125x16xf32, #tpu.memory_space<vmem>>
      %dma_wait3A_155 = tpu.memref_slice %arg5[%add3A_91, %mul3A_32] : memref<100000x128xf32, #tpu.memory_space<hbm>> -> memref<3125x16xf32, #tpu.memory_space<hbm>>
      %dma_wait3A_156 = tpu.memref_slice %arg5[%add3A_91, %mul3A_32] : memref<100000x128xf32, #tpu.memory_space<hbm>> -> memref<3125x16xf32, #tpu.memory_space<hbm>>
      %dma_wait3A_157 = arith.constant 0 : i32
      %dma_wait3A_158 = arith.constant 0 : i32
      %dma_wait3A_159 = tpu.memref_slice %arg6[%dma_wait3A_157, %dma_wait3A_158] : memref<6250x16xf32, #tpu.memory_space<vmem>> -> memref<3125x16xf32, #tpu.memory_space<vmem>>
      tpu.wait_dma2 semaphore(%arg16 : memref<!tpu.dma_semaphore, #tpu.memory_space<semaphore_mem>>) src(%dma_wait3A_159 : memref<3125x16xf32, #tpu.memory_space<vmem>>) dst(%dma_wait3A_156 : memref<3125x16xf32, #tpu.memory_space<hbm>>)
      %add3A_160 = arith.constant 1 : i32
      %add3A_161 = arith.addi %scan3A_86, %add3A_160 : i32
      %lt3A_162 = arith.constant 4 : i32
      %lt3A_163 = arith.cmpi slt, %add3A_161, %lt3A_162 : i32
      %convert_element_type3A = arith.extui %lt3A_163 : i1 to i32
      %cond3A = arith.constant 0 : i32
      %cond3A_164 = arith.cmpi ne, %convert_element_type3A, %cond3A : i32
      scf.if %cond3A_164 {
        "tpu.region"() ({
          %run_scoped3A = tpu.sem_alloc : memref<!tpu.dma_semaphore, #tpu.memory_space<semaphore_mem>>
          %dma_start3A_180 = arith.constant 0 : i32
          %dma_start3A_181 = arith.constant 0 : i32
          %dma_start3A_182 = tpu.memref_slice %arg6[%dma_start3A_180, %dma_start3A_181] : memref<6250x16xf32, #tpu.memory_space<vmem>> -> memref<3125x16xf32, #tpu.memory_space<vmem>>
          %dma_start3A_183 = tpu.memref_slice %arg2[%add3A_133, %mul3A_32] : memref<100000x128xf32, #tpu.memory_space<hbm>> -> memref<3125x16xf32, #tpu.memory_space<hbm>>
          %dma_start3A_184 = arith.constant 0 : i32
          %dma_start3A_185 = arith.constant 0 : i32
          %dma_start3A_186 = tpu.memref_slice %arg6[%dma_start3A_184, %dma_start3A_185] : memref<6250x16xf32, #tpu.memory_space<vmem>> -> memref<3125x16xf32, #tpu.memory_space<vmem>>
          %dma_start3A_187 = tpu.memref_slice %arg2[%add3A_133, %mul3A_32] : memref<100000x128xf32, #tpu.memory_space<hbm>> -> memref<3125x16xf32, #tpu.memory_space<hbm>>
          tpu.enqueue_dma source(%dma_start3A_187 : memref<3125x16xf32, #tpu.memory_space<hbm>>) target(%dma_start3A_186 : memref<3125x16xf32, #tpu.memory_space<vmem>>) target_semaphore(%run_scoped3A : memref<!tpu.dma_semaphore, #tpu.memory_space<semaphore_mem>>)
          %dma_wait3A_188 = arith.constant 0 : i32
          %dma_wait3A_189 = arith.constant 0 : i32
          %dma_wait3A_190 = tpu.memref_slice %arg6[%dma_wait3A_188, %dma_wait3A_189] : memref<6250x16xf32, #tpu.memory_space<vmem>> -> memref<3125x16xf32, #tpu.memory_space<vmem>>
          %dma_wait3A_191 = tpu.memref_slice %arg2[%add3A_133, %mul3A_32] : memref<100000x128xf32, #tpu.memory_space<hbm>> -> memref<3125x16xf32, #tpu.memory_space<hbm>>
          %dma_wait3A_192 = arith.constant 0 : i32
          %dma_wait3A_193 = arith.constant 0 : i32
          %dma_wait3A_194 = tpu.memref_slice %arg6[%dma_wait3A_192, %dma_wait3A_193] : memref<6250x16xf32, #tpu.memory_space<vmem>> -> memref<3125x16xf32, #tpu.memory_space<vmem>>
          %dma_wait3A_195 = tpu.memref_slice %arg2[%add3A_133, %mul3A_32] : memref<100000x128xf32, #tpu.memory_space<hbm>> -> memref<3125x16xf32, #tpu.memory_space<hbm>>
          tpu.wait_dma2 semaphore(%run_scoped3A : memref<!tpu.dma_semaphore, #tpu.memory_space<semaphore_mem>>) src(%dma_wait3A_195 : memref<3125x16xf32, #tpu.memory_space<hbm>>) dst(%dma_wait3A_194 : memref<3125x16xf32, #tpu.memory_space<vmem>>)
          tpu.yield
        }) : () -> ()
      } else {
      }
      %dma_wait3A_165 = arith.constant 3125 : i32
      %dma_wait3A_166 = arith.constant 0 : i32
      %dma_wait3A_167 = tpu.memref_slice %arg6[%dma_wait3A_165, %dma_wait3A_166] : memref<6250x16xf32, #tpu.memory_space<vmem>> -> memref<3125x16xf32, #tpu.memory_space<vmem>>
      %dma_wait3A_168 = tpu.memref_slice %arg5[%add3A_135, %mul3A_32] : memref<100000x128xf32, #tpu.memory_space<hbm>> -> memref<3125x16xf32, #tpu.memory_space<hbm>>
      %dma_wait3A_169 = tpu.memref_slice %arg5[%add3A_135, %mul3A_32] : memref<100000x128xf32, #tpu.memory_space<hbm>> -> memref<3125x16xf32, #tpu.memory_space<hbm>>
      %dma_wait3A_170 = arith.constant 3125 : i32
      %dma_wait3A_171 = arith.constant 0 : i32
      %dma_wait3A_172 = tpu.memref_slice %arg6[%dma_wait3A_170, %dma_wait3A_171] : memref<6250x16xf32, #tpu.memory_space<vmem>> -> memref<3125x16xf32, #tpu.memory_space<vmem>>
      tpu.wait_dma2 semaphore(%arg17 : memref<!tpu.dma_semaphore, #tpu.memory_space<semaphore_mem>>) src(%dma_wait3A_172 : memref<3125x16xf32, #tpu.memory_space<vmem>>) dst(%dma_wait3A_169 : memref<3125x16xf32, #tpu.memory_space<hbm>>)
      %add3A_173 = arith.constant 1 : i32
      %add3A_174 = arith.addi %scan3A_86, %add3A_173 : i32
      %lt3A_175 = arith.constant 4 : i32
      %lt3A_176 = arith.cmpi slt, %add3A_174, %lt3A_175 : i32
      %convert_element_type3A_177 = arith.extui %lt3A_176 : i1 to i32
      %cond3A_178 = arith.constant 0 : i32
      %cond3A_179 = arith.cmpi ne, %convert_element_type3A_177, %cond3A_178 : i32
      scf.if %cond3A_179 {
        %add3A_180 = arith.constant 3125 : i32
        %add3A_181 = arith.addi %add3A_133, %add3A_180 : i32
        "tpu.region"() ({
          %run_scoped3A = tpu.sem_alloc : memref<!tpu.dma_semaphore, #tpu.memory_space<semaphore_mem>>
          %dma_start3A_182 = arith.constant 3125 : i32
          %dma_start3A_183 = arith.constant 0 : i32
          %dma_start3A_184 = tpu.memref_slice %arg6[%dma_start3A_182, %dma_start3A_183] : memref<6250x16xf32, #tpu.memory_space<vmem>> -> memref<3125x16xf32, #tpu.memory_space<vmem>>
          %dma_start3A_185 = tpu.memref_slice %arg2[%add3A_181, %mul3A_32] : memref<100000x128xf32, #tpu.memory_space<hbm>> -> memref<3125x16xf32, #tpu.memory_space<hbm>>
          %dma_start3A_186 = arith.constant 3125 : i32
          %dma_start3A_187 = arith.constant 0 : i32
          %dma_start3A_188 = tpu.memref_slice %arg6[%dma_start3A_186, %dma_start3A_187] : memref<6250x16xf32, #tpu.memory_space<vmem>> -> memref<3125x16xf32, #tpu.memory_space<vmem>>
          %dma_start3A_189 = tpu.memref_slice %arg2[%add3A_181, %mul3A_32] : memref<100000x128xf32, #tpu.memory_space<hbm>> -> memref<3125x16xf32, #tpu.memory_space<hbm>>
          tpu.enqueue_dma source(%dma_start3A_189 : memref<3125x16xf32, #tpu.memory_space<hbm>>) target(%dma_start3A_188 : memref<3125x16xf32, #tpu.memory_space<vmem>>) target_semaphore(%run_scoped3A : memref<!tpu.dma_semaphore, #tpu.memory_space<semaphore_mem>>)
          %dma_wait3A_190 = arith.constant 3125 : i32
          %dma_wait3A_191 = arith.constant 0 : i32
          %dma_wait3A_192 = tpu.memref_slice %arg6[%dma_wait3A_190, %dma_wait3A_191] : memref<6250x16xf32, #tpu.memory_space<vmem>> -> memref<3125x16xf32, #tpu.memory_space<vmem>>
          %dma_wait3A_193 = tpu.memref_slice %arg2[%add3A_181, %mul3A_32] : memref<100000x128xf32, #tpu.memory_space<hbm>> -> memref<3125x16xf32, #tpu.memory_space<hbm>>
          %dma_wait3A_194 = arith.constant 3125 : i32
          %dma_wait3A_195 = arith.constant 0 : i32
          %dma_wait3A_196 = tpu.memref_slice %arg6[%dma_wait3A_194, %dma_wait3A_195] : memref<6250x16xf32, #tpu.memory_space<vmem>> -> memref<3125x16xf32, #tpu.memory_space<vmem>>
          %dma_wait3A_197 = tpu.memref_slice %arg2[%add3A_181, %mul3A_32] : memref<100000x128xf32, #tpu.memory_space<hbm>> -> memref<3125x16xf32, #tpu.memory_space<hbm>>
          tpu.wait_dma2 semaphore(%run_scoped3A : memref<!tpu.dma_semaphore, #tpu.memory_space<semaphore_mem>>) src(%dma_wait3A_197 : memref<3125x16xf32, #tpu.memory_space<hbm>>) dst(%dma_wait3A_196 : memref<3125x16xf32, #tpu.memory_space<vmem>>)
          tpu.yield
        }) : () -> ()
      } else {
      }
    }
    %scan3A_62 = arith.constant 4 : i32
    %dma_wait3A = arith.constant 0 : i32
    %dma_wait3A_63 = tpu.memref_slice %arg3[%dma_wait3A, %mul3A_32] : memref<16384x128xi32, #tpu.memory_space<hbm>> -> memref<256x16xi32, #tpu.memory_space<hbm>>
    %dma_wait3A_64 = arith.constant 0 : i32
    %dma_wait3A_65 = tpu.memref_slice %arg3[%dma_wait3A_64, %mul3A_32] : memref<16384x128xi32, #tpu.memory_space<hbm>> -> memref<256x16xi32, #tpu.memory_space<hbm>>
    tpu.wait_dma2 semaphore(%arg13 : memref<!tpu.dma_semaphore, #tpu.memory_space<semaphore_mem>>) src(%dma_wait3A_65 : memref<256x16xi32, #tpu.memory_space<hbm>>) dst(%arg7 : memref<256x16xi32, #tpu.memory_space<vmem>>)
    %dma_wait3A_66 = arith.constant 0 : i32
    %dma_wait3A_67 = tpu.memref_slice %arg4[%dma_wait3A_66, %mul3A_32] : memref<16384x128xf32, #tpu.memory_space<hbm>> -> memref<256x16xf32, #tpu.memory_space<hbm>>
    %dma_wait3A_68 = arith.constant 0 : i32
    %dma_wait3A_69 = tpu.memref_slice %arg4[%dma_wait3A_68, %mul3A_32] : memref<16384x128xf32, #tpu.memory_space<hbm>> -> memref<256x16xf32, #tpu.memory_space<hbm>>
    tpu.wait_dma2 semaphore(%arg13 : memref<!tpu.dma_semaphore, #tpu.memory_space<semaphore_mem>>) src(%dma_wait3A_69 : memref<256x16xf32, #tpu.memory_space<hbm>>) dst(%arg10 : memref<256x16xf32, #tpu.memory_space<vmem>>)
    %dma_wait3A_70 = arith.constant 256 : i32
    %dma_wait3A_71 = tpu.memref_slice %arg3[%dma_wait3A_70, %mul3A_32] : memref<16384x128xi32, #tpu.memory_space<hbm>> -> memref<256x16xi32, #tpu.memory_space<hbm>>
    %dma_wait3A_72 = arith.constant 256 : i32
    %dma_wait3A_73 = tpu.memref_slice %arg3[%dma_wait3A_72, %mul3A_32] : memref<16384x128xi32, #tpu.memory_space<hbm>> -> memref<256x16xi32, #tpu.memory_space<hbm>>
    tpu.wait_dma2 semaphore(%arg14 : memref<!tpu.dma_semaphore, #tpu.memory_space<semaphore_mem>>) src(%dma_wait3A_73 : memref<256x16xi32, #tpu.memory_space<hbm>>) dst(%arg8 : memref<256x16xi32, #tpu.memory_space<vmem>>)
    %dma_wait3A_74 = arith.constant 256 : i32
    %dma_wait3A_75 = tpu.memref_slice %arg4[%dma_wait3A_74, %mul3A_32] : memref<16384x128xf32, #tpu.memory_space<hbm>> -> memref<256x16xf32, #tpu.memory_space<hbm>>
    %dma_wait3A_76 = arith.constant 256 : i32
    %dma_wait3A_77 = tpu.memref_slice %arg4[%dma_wait3A_76, %mul3A_32] : memref<16384x128xf32, #tpu.memory_space<hbm>> -> memref<256x16xf32, #tpu.memory_space<hbm>>
    tpu.wait_dma2 semaphore(%arg14 : memref<!tpu.dma_semaphore, #tpu.memory_space<semaphore_mem>>) src(%dma_wait3A_77 : memref<256x16xf32, #tpu.memory_space<hbm>>) dst(%arg11 : memref<256x16xf32, #tpu.memory_space<vmem>>)
    %dma_wait3A_78 = arith.constant 512 : i32
    %dma_wait3A_79 = tpu.memref_slice %arg3[%dma_wait3A_78, %mul3A_32] : memref<16384x128xi32, #tpu.memory_space<hbm>> -> memref<256x16xi32, #tpu.memory_space<hbm>>
    %dma_wait3A_80 = arith.constant 512 : i32
    %dma_wait3A_81 = tpu.memref_slice %arg3[%dma_wait3A_80, %mul3A_32] : memref<16384x128xi32, #tpu.memory_space<hbm>> -> memref<256x16xi32, #tpu.memory_space<hbm>>
    tpu.wait_dma2 semaphore(%arg15 : memref<!tpu.dma_semaphore, #tpu.memory_space<semaphore_mem>>) src(%dma_wait3A_81 : memref<256x16xi32, #tpu.memory_space<hbm>>) dst(%arg9 : memref<256x16xi32, #tpu.memory_space<vmem>>)
    %dma_wait3A_82 = arith.constant 512 : i32
    %dma_wait3A_83 = tpu.memref_slice %arg4[%dma_wait3A_82, %mul3A_32] : memref<16384x128xf32, #tpu.memory_space<hbm>> -> memref<256x16xf32, #tpu.memory_space<hbm>>
    %dma_wait3A_84 = arith.constant 512 : i32
    %dma_wait3A_85 = tpu.memref_slice %arg4[%dma_wait3A_84, %mul3A_32] : memref<16384x128xf32, #tpu.memory_space<hbm>> -> memref<256x16xf32, #tpu.memory_space<hbm>>
    tpu.wait_dma2 semaphore(%arg15 : memref<!tpu.dma_semaphore, #tpu.memory_space<semaphore_mem>>) src(%dma_wait3A_85 : memref<256x16xf32, #tpu.memory_space<hbm>>) dst(%arg12 : memref<256x16xf32, #tpu.memory_space<vmem>>)
    return
  }
}

</mosaic_0001>

<sc_bundles>
// kernel: _scatter_add.3.cloned.1.call-start
scs
__scs_entry_jumppad:
0x0: {  	(pc) =	sbr.rel $0x88, $3  }
0x1: {  	(tag) =	ssettag $0x0;
	lr =	simm.s32 $0x1  }
0x2: {  	[smem:$0x3F9E] =	sst lr;
	_ =	strace $0xD0000000  }
0x3: {  	_ = 	snop  }
0x4: {  	_ = 	snop  }
0x5: {  	_ = 	snop  }
0x6: {  	_ = 	snop  }
0x7: {  	_ = 	snop  }
__scs_overlays_trampoline_lowered:
0x8: {  	[smem:$0x3FAD] =	sst s0  }
0x9: {  	[smem:$0x3FAE] =	sst s1  }
0xa: {  	[smem:$0x3FAF] =	sst s2  }
0xb: {  	[smem:$0x3FB0] =	sst s3  }
0xc: {  	[smem:$0x3FB1] =	sst s4  }
0xd: {  	[smem:$0x3FB2] =	sst s5  }
0xe: {  	[smem:$0x3FB3] =	sst s6  }
0xf: {  	[smem:$0x3FB4] =	sst s7  }
0x10: {  	[smem:$0x3FB5] =	sst s8  }
0x11: {  	[smem:$0x3FB6] =	sst s9;
	s0 =	simm.s32 @!p0 $0x0  }
0x12: {  	s1 =	sld [smem:$0x3F9C];
	s0 =	simm.s32 @p0 $0x1  }
0x13: {  	[smem:$0x3FB7] =	sst s0;
	s0 =	simm.s32 @!p1 $0x0  }
0x14: {  	s2 =	sld [smem:$0x3F9B];
	s0 =	simm.s32 @p1 $0x1  }
0x15: {  	[smem:$0x3FB8] =	sst s0;
	s0 =	simm.s32 @!p2 $0x0  }
0x16: {  	s3 =	sld [smem:$0x3FDB];
	s0 =	simm.s32 @p2 $0x1  }
0x17: {  	s4 =	simm.s32 $0x1BF5;
	[smem:$0x3FBA] =	sst s0  }
0x18: {  	s0 =	sld [smem:$0x3F9D];
	_ =	swait.ge [sflag:s4], $0x0  }
0x19: {  	s7 =	sld [smem:$0x3F9E]  }
0x1a: {  	s8 =	sadd.s32 $0xFFFFE003, lr  }
0x1b: {  	s9 =	sadd.s32 $0xFFFFFEF7, lr;
	s5 =	simm.s32 $0xFFFFFFFF;
	p2 =	slt.u32 s8, $0xFFFFF086  }
0x1c: {  	p1 =	slt.u32 s9, $0xF7A;
	s5 =	simm.s32 @!p2 $0x0  }
0x1d: {  	s5 =	simm.s32 @p1 $0x1;
	p0 =	seq.s32 s7, s2  }
0x1e: {  	s7 =	smul.u32 @!p0 $0xF7A, s2;
	p2 =	seq.s32 @!p0 s5, $0x0  }
0x1f: {  	s9 =	smul.u32 $0xF7A, s1;
	s8 =	simm.s32 @!p0 $0x1BF5;
	p2 =	por !p2, p0  }
0x20: {  	[sflag:s8] =	ssyncset.s32 @!p0 $0xFFFFF086;
	s6 =	sadd.s32 @!p0 s3, s7;
	s7 =	simm.s32 @!p0 $0x108  }
0x21: {  	s3 =	sadd.s32 s3, s9;
	s6 =	sadd.s32 @!p0 $0x88, s6;
	s7 =	simm.s32 @p2 $0x1082  }
0x22: {  	[simem:s7], [sflag:s8] =	dma.local @!p0 [hbm:s6], $0xF7A  }
0x23: {  	s9 =	sor.u32 $0xD0000000, s2;
	s6 =	simm.s32 $0x108;
	_ =	swait.ge @!p0 [sflag:s8], $0x0  }
0x24: {  	s3 =	sadd.s32 $0x88, s3;
	s6 =	simm.s32 @!p1 $0x1082;
	[sflag:s4] =	ssyncset.s32 $0xFFFFF086  }
0x25: {  	[simem:s6], [sflag:s4] =	dma.local [hbm:s3], $0xF7A  }
0x26: {  	[smem:$0x3F9E] =	sst s1;
	(tag) =	ssettag s2;
	_ =	strace s9  }
0x27: {  	s1 =	sld [smem:$0x3FAE]  }
0x28: {  	s2 =	sld [smem:$0x3FAF]  }
0x29: {  	s4 =	sld [smem:$0x3FB1]  }
0x2a: {  	p0 =	seq.s32 s5, $0x0;
	s5 =	sld [smem:$0x3FB2]  }
0x2b: {  	s6 =	sld [smem:$0x3FB3]  }
0x2c: {  	s7 =	sld [smem:$0x3FB4]  }
0x2d: {  	s3 =	simm.s32 $0x108;
	s8 =	sld [smem:$0x3FB5]  }
0x2e: {  	s3 =	simm.s32 @!p0 $0x1082;
	s9 =	sld [smem:$0x3FB6]  }
0x2f: {  	lr =	sadd.s32 s0, s3;
	s0 =	sld [smem:$0x3FAD]  }
0x30: {  	s3 =	sld [smem:$0x3FB0]  }
0x31: {  	[smem:$0x3FB9] =	sst s10  }
0x32: {  	s10 =	sld [smem:$0x3FB7];
	_ =	sdelay $0x3  }
0x33: {  	p0 =	seq.s32 s10, $0x1;
	s10 =	sld [smem:$0x3FB9];
	_ =	sdelay $0x3  }
0x34: {  	[smem:$0x3FB9] =	sst s10  }
0x35: {  	s10 =	sld [smem:$0x3FB8];
	_ =	sdelay $0x3  }
0x36: {  	p1 =	seq.s32 s10, $0x1;
	s10 =	sld [smem:$0x3FB9];
	_ =	sdelay $0x3  }
0x37: {  	[smem:$0x3FB9] =	sst s10  }
0x38: {  	s10 =	sld [smem:$0x3FBA]  }
0x39: {  	_ = 	snop;
	(pc) =	sbr.ind lr, $3  }
0x3a: {  	_ = 	snop  }
0x3b: {  	_ = 	snop  }
0x3c: {  	p2 =	seq.s32 s10, $0x1;
	s10 =	sld [smem:$0x3FB9]  }
0x3d: {  	_ =	shalt  }
0x3e: {  	_ =	shalt  }
0x3f: {  	_ =	shalt  }
0x40: {  	_ =	shalt  }
0x41: {  	_ =	shalt  }
0x42: {  	_ =	shalt  }
0x43: {  	_ =	shalt  }
0x44: {  	_ =	shalt  }
0x45: {  	_ =	shalt  }
0x46: {  	_ =	shalt  }
0x47: {  	_ =	shalt  }
0x48: {  	_ =	shalt  }
0x49: {  	_ =	shalt  }
0x4a: {  	_ =	shalt  }
0x4b: {  	_ =	shalt  }
0x4c: {  	_ =	shalt  }
0x4d: {  	_ =	shalt  }
0x4e: {  	_ =	shalt  }
0x4f: {  	_ =	shalt  }
0x50: {  	_ =	shalt  }
0x51: {  	_ =	shalt  }
0x52: {  	_ =	shalt  }
0x53: {  	_ =	shalt  }
0x54: {  	_ =	shalt  }
0x55: {  	_ =	shalt  }
0x56: {  	_ =	shalt  }
0x57: {  	_ =	shalt  }
0x58: {  	_ =	shalt  }
0x59: {  	_ =	shalt  }
0x5a: {  	_ =	shalt  }
0x5b: {  	_ =	shalt  }
0x5c: {  	_ =	shalt  }
0x5d: {  	_ =	shalt  }
0x5e: {  	_ =	shalt  }
0x5f: {  	_ =	shalt  }
0x60: {  	_ =	shalt  }
0x61: {  	_ =	shalt  }
0x62: {  	_ =	shalt  }
0x63: {  	_ =	shalt  }
0x64: {  	_ =	shalt  }
0x65: {  	_ =	shalt  }
0x66: {  	_ =	shalt  }
0x67: {  	_ =	shalt  }
0x68: {  	_ =	shalt  }
0x69: {  	_ =	shalt  }
0x6a: {  	_ =	shalt  }
0x6b: {  	_ =	shalt  }
0x6c: {  	_ =	shalt  }
0x6d: {  	_ =	shalt  }
0x6e: {  	_ =	shalt  }
0x6f: {  	_ =	shalt  }
0x70: {  	_ =	shalt  }
0x71: {  	_ =	shalt  }
0x72: {  	_ =	shalt  }
0x73: {  	_ =	shalt  }
0x74: {  	_ =	shalt  }
0x75: {  	_ =	shalt  }
0x76: {  	_ =	shalt  }
0x77: {  	_ =	shalt  }
0x78: {  	_ =	shalt  }
0x79: {  	_ =	shalt  }
0x7a: {  	_ =	shalt  }
0x7b: {  	_ =	shalt  }
0x7c: {  	_ =	shalt  }
0x7d: {  	_ =	shalt  }
0x7e: {  	_ =	shalt  }
0x7f: {  	_ =	shalt  }
0x80: {  	_ =	shalt  }
0x81: {  	_ =	shalt  }
0x82: {  	_ =	shalt  }
0x83: {  	_ =	shalt  }
0x84: {  	_ =	shalt  }
0x85: {  	_ =	shalt  }
0x86: {  	_ =	shalt  }
0x87: {  	_ =	shalt  }
.Lfunc_end0:
.L_simem_size_0:
called_computation_lowered:
.L_overlay_start_0:
0x88: {  	s2 =	sld [smem:$0x3FD9]  }
0x89: {  	s3 =	sld [smem:$0x3FFE];
	_ =	sdelay $0x1  }
0x8a: {  	s1 =	srdreg.scid  }
0x8b: {  	s0 =	sand.u32 $0x1, s1  }
0x8c: {  	s18 =	sshll.u32 s0, $0xA;
	s2 =	sadd.s32 s3, s2  }
0x8d: {  	s2 =	sadd.s32 s2, s18  }
0x8e: {  	[smem:$0x3FC5] =	sst s2  }
0x8f: {  	_ = 	snop  }
0x90: {  	s2 =	sld [smem:$0x3FC9]  }
0x91: {  	s19 =	sld [smem:$0x3FC8]  }
0x92: {  	s4 =	sld [smem:$0x3FC7]  }
0x93: {  	s5 =	sld [smem:$0x3FD0];
	(tm) =	ssettm $0x1  }
0x94: {  	s6 =	sld [smem:$0x3FFB];
	_ =	sdelay $0x3  }
0x95: {  	_ =	strace s6  }
0x96: {  	s6 =	sld [smem:$0x3FFC];
	_ =	sdelay $0x3  }
0x97: {  	_ =	strace s6  }
0x98: {  	s6 =	sld [smem:$0x3FFD];
	_ =	sdelay $0x3  }
0x99: {  	_ =	strace s6  }
0x9a: {  	_ =	strace $0x8FFFFFFF  }
0x9b: {  	s20 =	sld [smem:$0x3FDB];
	_ =	sdelay $0x1  }
0x9c: {  	s7 =	simm.s32 $_scs_section_size  }
0x9d: {  	s8 =	simm.s32 $_size__tile_overlayer_lowered;
	s9 =	simm.s32 $_tile_overlayer_lowered  }
0x9e: {  	s23 =	simm.s32 $0x1BFF;
	s22 =	sshll.u32 s9, $0x1;
	s6 =	sadd.s32 s7, s20  }
0x9f: {  	s10 =	simm.s32 $0x0;
	s21 =	sshll.u32 s8, $0x1;
	s8 =	sadd.s32 s22, s6  }
0xa0: {  	[timem:s10], [sflag:s23] =	dma.local [hbm:s8], s21  }
0xa1: {  	_ =	swait.ge [sflag:s23], s21  }
0xa2: {  	s7 =	ssub.s32 $0x0, s21;
	[sflag:s23] =	ssyncset.done $0x0  }
0xa3: {  	[sflag:s23] =	ssyncadd.s32 s7;
	_ =	sdelay $0x1  }
0xa4: {  	s24 =	simm.s32 $0x1B8B  }
0xa5: {  	_ =	swait.ge [sflag:s24], $0x1  }
0xa6: {  	[sflag:s24] =	ssyncset.done $0x0  }
0xa7: {  	s25 =	simm.s32 $0x1B8E;
	[sflag:s24] =	ssyncadd.s32 $0xFFFFFFFF  }
0xa8: {  	s26 =	simm.s32 $execute0_lowered;
	[smem:$0x3FD2] =	sst s25  }
0xa9: {  	s7 =	sshll.u32 s26, $0x1;
	_ =	strace $0x80000046;
	[dreg:$0x1] =	wrdreg $0xFFFFFFFF  }
0xaa: {  	s28 =	simm.s32 $_size_execute0_lowered;
	s6 =	sadd.s32 s6, s7;
	[dreg:$0x0] =	wrdreg $0x0  }
0xab: {  	s7 =	sshll.u32 s28, $0x1;
	[dreg:$0x2] =	wrdreg s6  }
0xac: {  	[dreg:$0x3] =	wrdreg s7  }
0xad: {  	[dreg:$0x4] =	wrdreg $0xC0  }
0xae: {  	_ =	task [dreg:s10], $0x5FFFF  }
0xaf: {  	[dreg:$0x1] =	wrdreg $0xFFFFFFFF  }
0xb0: {  	[dreg:$0x0] =	wrdreg $0x60  }
0xb1: {  	[dreg:$0x2] =	wrdreg s2  }
0xb2: {  	[dreg:$0x3] =	wrdreg s19  }
0xb3: {  	[dreg:$0x4] =	wrdreg s4  }
0xb4: {  	[dreg:$0x5] =	wrdreg s5  }
0xb5: {  	[dreg:$0x6] =	wrdreg $0x9  }
0xb6: {  	_ =	task.clear_ibuf [dreg:s10], $0x7FFFF;
	_ =	strace $0x90000046  }
0xb7: {  	s29 =	simm.s32 $0x9;
	_ =	strace $0x80000048  }
0xb8: {  	_ =	swait.ge [sflag:s29], $0x1  }
0xb9: {  	[sflag:s29] =	ssyncadd.s32 $0xFFFFFFFF  }
0xba: {  	_ =	strace $0x90000048  }
0xbb: {  	_ =	sfence  }
0xbc: {  	s30 =	sld [smem:$0x0];
	_ =	sdelay $0x2  }
0xbd: {  	s31 =	sshll.u32 s1, $0xD;
	s1 =	sshrl.u32 s1, $0x2  }
0xbe: {  	s3 =	sand.u32 $0x4000, s31;
	s1 =	sadd.s32 s1, s30  }
0xbf: {  	s0 =	sor.u32 s3, s0;
	s1 =	sshll.u32 s1, $0x11  }
0xc0: {  	s0 =	sor.u32 s1, s0  }
0xc1: {  	s0 =	sadd.s32 $0x8F2B, s0  }
0xc2: {  	[sflag:s0] =	ssyncadd.remote.s32 $0x1  }
0xc3: {  	_ =	sfence.sel $0xFFFF  }
0xc4: {  	[dreg:$0x0] =	wrdreg $0xFFFFFFFF;
	(pc) =	sbr.abs _section_cstart, $3  }
0xc5: {  	[dreg:$0x1] =	wrdreg $0xFFFFFFFF  }
0xc6: {  	_ =	task.clear_ibuf [dreg:s10], $0x2FFFF;
	_ =	strace $0x9FFFFFFF  }
0xc7: {  	(tm) =	ssettm $0x7FFFFFFF  }
tec
execute0_lowered:
.L_overlay_start_1:
0x0: {  	(tag) =	ssettag $0x1  }
0x1: {  	s8 =	rddreg [dreg:$0x0]  }
0x2: {  	s2 =	rddreg [dreg:$0x1]  }
0x3: {  	s3 =	rddreg [dreg:$0x2]  }
0x4: {  	s0 =	srdreg.scid;
	s6 =	simm.s32 $0x0;
	s7 =	stileid.u32  }
0x5: {  	s30 =	simm.s32 $0x1A6A0;
	s31 =	simm.s32 $0x1D6A0;
	s15 =	simm.s32 $0x2  }
0x6: {  	s29 =	simm.s32 $0x4;
	s0 =	sand.u32 $0x1, s0;
	[smem:$0x7FF] =	sst s6  }
0x7: {  	s4 =	sshll.u32 s7, $0x1;
	s17 =	sshrl.u32 s7, $0x2;
	s7 =	simm.s32 $0x0  }
0x8: {  	s1 =	ssub.s32 $0x2, s0;
	_ =	strace $0x80000047;
	s18 =	smul.u32 $0x30D400, s17  }
0x9: {  	s4 =	sand.u32 $0x6, s4;
	s22 =	smul.u32 $0x61A8, s17;
	s5 =	sshrl.u32 s1, $0x1  }
0xa: {  	s0 =	sor.u32 s0, s4;
	s4 =	simm.s32 $0x1;
	s1 =	ssub.s32 s1, s5  }
0xb: {  	s9 =	sshll.u32 s0, $0x4;
	s0 =	sshll.u32 s0, $0x1;
	[dreg:$0x9] =	wrdreg s22  }
0xc: {  	s22 =	simm.s32 $0x3;
	s19 =	sadd.s32 s2, s0;
	s20 =	sadd.s32 s3, s0  }
0xd: {  	s21 =	sor.u32 $0x1000, s0;
	s0 =	sor.u32 $0x2000, s0;
	s5 =	sor.u32 s18, s9  }
0xe: {  	s16 =	sor.u32 $0x18000, s9;
	s17 =	sor.u32 $0x20000, s9;
	[dreg:$0x5] =	wrdreg s9  }
0xf: {  	s18 =	sor.u32 $0x28000, s9;
	s24 =	sor.u32 $0x61A80, s9;
	[dreg:$0x6] =	wrdreg s19  }
0x10: {  	s25 =	sor.u32 $0xC3500, s9;
	s26 =	sor.u32 $0x124F80, s9;
	[dreg:$0x7] =	wrdreg s20  }
0x11: {  	s28 =	smax.u32 s1, $0x1;
	s1 =	simm.s32 $0x5;
	[dreg:$0xb] =	wrdreg s24  }
0x12: {  	s10 =	sadd.s32 s2, s21;
	s11 =	sadd.s32 s3, s21;
	[dreg:$0xc] =	wrdreg s25  }
.Ltmp0:
0x13: {  	s12 =	sadd.s32 s2, s0;
	[dreg:$0xd] =	wrdreg s26;
	(pc) =	sbr.rel .LBB2_1-.Ltmp0, $4  }
0x14: {  	s5 =	sshrl.u32 s5, $0x3;
	s13 =	sadd.s32 s3, s0;
	[dreg:$0xe] =	wrdreg s28  }
0x15: {  	s24 =	simm.s32 $0x80;
	s25 =	simm.s32 $0x186A0;
	s26 =	simm.s32 $0x1B6A0  }
0x16: {  	s0 =	simm.s32 $0x6;
	[dreg:$0x8] =	wrdreg s10;
	s23 =	sadd.s32 s8, s5  }
0x17: {  	v0 =	vlaneseq.u32;
	s20 =	simm.s32 $0x7;
	[dreg:$0xa] =	wrdreg s23;
	s23 =	simm.s32 $0x10  }
.LBB2_14:
0x18: {  	_ =	swait.ge [sflag:s1], $0xC350  }
0x19: {  	[sflag:s1] =	ssyncset.done $0x0  }
0x1a: {  	[sflag:s1] =	ssyncadd.s32 $0xFFFF3CB0  }
.LBB2_16:
0x1b: {  	_ =	swait.ge [sflag:s4], $0x1000  }
0x1c: {  	[sflag:s4] =	ssyncset.done $0x0  }
0x1d: {  	[sflag:s4] =	ssyncadd.s32 $0xFFFFF000  }
0x1e: {  	_ =	swait.ge [sflag:s4], $0x1000  }
0x1f: {  	[sflag:s4] =	ssyncset.done $0x0  }
0x20: {  	[sflag:s4] =	ssyncadd.s32 $0xFFFFF000  }
0x21: {  	_ =	swait.ge [sflag:s15], $0x1000  }
0x22: {  	[sflag:s15] =	ssyncset.done $0x0  }
0x23: {  	[sflag:s15] =	ssyncadd.s32 $0xFFFFF000  }
0x24: {  	_ =	swait.ge [sflag:s15], $0x1000  }
0x25: {  	[sflag:s15] =	ssyncset.done $0x0  }
0x26: {  	[sflag:s15] =	ssyncadd.s32 $0xFFFFF000  }
0x27: {  	_ =	swait.ge [sflag:s22], $0x1000  }
0x28: {  	[sflag:s22] =	ssyncset.done $0x0  }
0x29: {  	[sflag:s22] =	ssyncadd.s32 $0xFFFFF000  }
0x2a: {  	_ =	swait.ge [sflag:s22], $0x1000  }
0x2b: {  	s7 =	rddreg [dreg:$0xf]  }
0x2c: {  	s5 =	rddreg [dreg:$0xe];
	s7 =	sadd.s32 $0x1, s7  }
0x2d: {  	p0 =	sne.s32 s7, s5  }
.Ltmp1:
0x2e: {  	_ = 	snop;
	(pc) =	sbr.rel @!p0 .LBB2_17-.Ltmp1, $3  }
0x2f: {  	_ =	sdelay $0x1  }
0x30: {  	[sflag:s22] =	ssyncset.done $0x0  }
0x31: {  	[sflag:s22] =	ssyncadd.s32 $0xFFFFF000  }
.LBB2_1:
0x32: {  	s5 =	rddreg [dreg:$0x6]  }
0x33: {  	[tilespmem:s25], [sflag:$0x1] =	stream.strided.gather [hbm4b:s5+s23], $0x1000, s24, s23, $0x38;
	[tilespmem:$0x1E6A0] =	vst v63  }
0x34: {  	s10 =	rddreg [dreg:$0x7]  }
0x35: {  	[tilespmem:s26], [sflag:$0x1] =	stream.strided.gather [hbm4b:s10+s23], $0x1000, s24, s23, $0x38;
	[tilespmem:$0x1E6A0] =	vst v63  }
0x36: {  	s14 =	rddreg [dreg:$0x8];
	s19 =	simm.s32 $0x196A0  }
0x37: {  	[tilespmem:s19], [sflag:$0x2] =	stream.strided.gather [hbm4b:s14+s23], $0x1000, s24, s23, $0x38;
	[tilespmem:$0x1E6A0] =	vst v63  }
0x38: {  	s21 =	simm.s32 $0x1C6A0  }
0x39: {  	[tilespmem:s21], [sflag:$0x2] =	stream.strided.gather [hbm4b:s11+s23], $0x1000, s24, s23, $0x38;
	[tilespmem:$0x1E6A0] =	vst v63  }
0x3a: {  	_ = 	snop  }
0x3b: {  	[tilespmem:s30], [sflag:$0x3] =	stream.strided.gather [hbm4b:s12+s23], $0x1000, s24, s23, $0x38;
	[tilespmem:$0x1E6A0] =	vst v63  }
0x3c: {  	[dreg:$0xf] =	wrdreg s7  }
0x3d: {  	[tilespmem:s31], [sflag:$0x3] =	stream.strided.gather [hbm4b:s13+s23], $0x1000, s24, s23, $0x38;
	[tilespmem:$0x1E6A0] =	vst v63  }
0x3e: {  	s28 =	rddreg [dreg:$0xa]  }
0x3f: {  	[tilespmem:s6], [sflag:$0x6] =	stream.strided.gather [hbm4b:s28+s23], $0x186A0, s24, s23, $0x38;
	[tilespmem:$0x1E6A0] =	vst v63  }
0x40: {  	_ =	swait.ge [sflag:s0], $0x186A0  }
0x41: {  	[sflag:s0] =	ssyncset.done $0x0  }
0x42: {  	s21 =	simm.s32 $0x0;
	[sflag:s0] =	ssyncadd.s32 $0xFFFE7960  }
.LBB2_2:
0x43: {  	s5 =	smul.u32 $0x186A, s21  }
0x44: {  	s7 =	rddreg [dreg:$0x9]  }
0x45: {  	s5 =	sadd.s32 s7, s5  }
0x46: {  	s28 =	simm.s32 $0x0;
	v1 =	vmov s5  }
.LBB2_3:
0x47: {  	_ =	swait.ge [sflag:s4], $0x1000  }
0x48: {  	[sflag:s4] =	ssyncset.done $0x0  }
0x49: {  	[sflag:s4] =	ssyncadd.s32 $0xFFFFF000  }
0x4a: {  	_ =	swait.ge [sflag:s4], $0x1000  }
0x4b: {  	[sflag:s4] =	ssyncset.done $0x0  }
0x4c: {  	s7 =	simm.s32 $0x18720;
	[sflag:s4] =	ssyncadd.s32 $0xFFFFF000  }
0x4d: {  	v2 =	vld [tilespmem:s7+$0x70]  }
0x4e: {  	v3 =	vld [tilespmem:s7+$0xFFFFFF90]  }
0x4f: {  	v4 =	vld [tilespmem:s7+$0xFFFFFFA0]  }
0x50: {  	v5 =	vld [tilespmem:s7+$0xFFFFFFB0]  }
0x51: {  	v6 =	vld [tilespmem:s7+$0xFFFFFFC0]  }
0x52: {  	v7 =	vld [tilespmem:s7+$0xFFFFFFD0]  }
0x53: {  	s14 =	simm.s32 $0x1B720;
	v8 =	vld [tilespmem:s7+$0xFFFFFFE0]  }
0x54: {  	v9 =	vld [tilespmem:s14+$0x70]  }
0x55: {  	v10 =	vld [tilespmem:s7+$0xFFFFFFF0]  }
0x56: {  	v11 =	vld [tilespmem:s7+$0x0]  }
0x57: {  	v12 =	vld [tilespmem:s7+$0x10]  }
0x58: {  	v13 =	vld [tilespmem:s7+$0x20]  }
0x59: {  	v46 =	vld [tilespmem:s7+$0x40]  }
0x5a: {  	v14 =	vld [tilespmem:s7+$0x50]  }
0x5b: {  	v15 =	vld [tilespmem:s7+$0x60]  }
0x5c: {  	v16 =	vld [tilespmem:s7+$0xFFFFFF80]  }
0x5d: {  	v17 =	vld [tilespmem:s14+$0xFFFFFF80]  }
0x5e: {  	v18 =	vld [tilespmem:s14+$0xFFFFFF90]  }
0x5f: {  	v19 =	vld [tilespmem:s14+$0xFFFFFFA0]  }
0x60: {  	v20 =	vld [tilespmem:s14+$0xFFFFFFB0]  }
0x61: {  	v21 =	vld [tilespmem:s14+$0xFFFFFFC0]  }
0x62: {  	v23 =	vld [tilespmem:s14+$0xFFFFFFD0];
	v2 =	vsub.s32 v2, v1;
	v3 =	vsub.s32 v3, v1;
	v4 =	vsub.s32 v4, v1  }
0x63: {  	v24 =	vld [tilespmem:s14+$0xFFFFFFE0];
	v5 =	vsub.s32 v5, v1;
	v16 =	vsub.s32 v16, v1;
	v6 =	vsub.s32 v6, v1  }
0x64: {  	v26 =	vld [tilespmem:s14+$0xFFFFFFF0];
	v7 =	vsub.s32 v7, v1;
	v8 =	vsub.s32 v8, v1;
	v10 =	vsub.s32 v10, v1  }
0x65: {  	v48 =	vld [tilespmem:s14+$0x0];
	v11 =	vsub.s32 v11, v1;
	v12 =	vsub.s32 v12, v1;
	v13 =	vsub.s32 v13, v1  }
0x66: {  	v28 =	vld [tilespmem:s14+$0x10];
	v60 =	vsub.s32 v14, v1;
	vm0 =	vlt.u32 v2, $0x186A;
	v2 =	vshll.u32 v2, $0x4  }
0x67: {  	v49 =	vld [tilespmem:s14+$0x20];
	v61 =	vsub.s32 v15, v1;
	v22 =	vshll.u32 v3, $0x4;
	v2 =	vor.u32 v0, v2  }
0x68: {  	v50 =	vld [tilespmem:s14+$0x30];
	vm14 =	vlt.u32 v3, $0x186A;
	vm5 =	vlt.u32 v16, $0x186A;
	v16 =	vshll.u32 v16, $0x4  }
0x69: {  	v51 =	vld [tilespmem:s14+$0x40];
	v3 =	vshll.u32 v4, $0x4;
	v25 =	vshll.u32 v5, $0x4;
	v47 =	vor.u32 v0, v16  }
0x6a: {  	v53 =	vld [tilespmem:s14+$0x50];
	vm1 =	vlt.u32 v4, $0x186A;
	v27 =	vshll.u32 v6, $0x4;
	v22 =	vor.u32 v0, v22  }
0x6b: {  	v57 =	vld [tilespmem:s14+$0x60];
	v29 =	vshll.u32 v7, $0x4;
	vm2 =	vlt.u32 v5, $0x186A;
	v3 =	vor.u32 v0, v3  }
0x6c: {  	v30 =	vshll.u32 v8, $0x4;
	vm3 =	vlt.u32 v6, $0x186A;
	v25 =	vor.u32 v0, v25;
	[tilespmem:v2+s6+$0x0] =	vst.idx.add.f32.msk vm0, v9  }
0x6d: {  	vm4 =	vlt.u32 v7, $0x186A;
	vm15 =	vlt.u32 v8, $0x186A;
	v27 =	vor.u32 v0, v27;
	v2 =	vld [tilespmem:s7+$0x30]  }
0x6e: {  	v31 =	vshll.u32 v10, $0x4;
	v52 =	vshll.u32 v11, $0x4;
	v30 =	vor.u32 v0, v30;
	[tilespmem:v47+s6+$0x0] =	vst.idx.add.f32.msk vm5, v17  }
0x6f: {  	v54 =	vshll.u32 v12, $0x4;
	vm9 =	vlt.u32 v10, $0x186A;
	v29 =	vor.u32 v0, v29;
	[tilespmem:v22+s6+$0x0] =	vst.idx.add.f32.msk vm14, v18  }
0x70: {  	v55 =	vshll.u32 v13, $0x4;
	vm6 =	vlt.u32 v11, $0x186A;
	v56 =	vor.u32 v0, v31;
	[tilespmem:v3+s6+$0x0] =	vst.idx.add.f32.msk vm1, v19  }
0x71: {  	vm10 =	vlt.u32 v12, $0x186A;
	vm11 =	vlt.u32 v13, $0x186A;
	v4 =	vor.u32 v0, v52;
	[tilespmem:v25+s6+$0x0] =	vst.idx.add.f32.msk vm2, v20  }
0x72: {  	v62 =	vshll.u32 v61, $0x4;
	v59 =	vor.u32 v0, v54;
	v10 =	vor.u32 v0, v55;
	[tilespmem:v27+s6+$0x0] =	vst.idx.add.f32.msk vm3, v21  }
0x73: {  	v63 =	vor.u32 v0, v62;
	v9 =	vsub.s32 v46, v1;
	[tilespmem:v30+s6+$0x0] =	vst.idx.add.f32.msk vm15, v24;
	vm15 =	vlt.u32 v61, $0x186A  }
0x74: {  	[tilespmem:v29+s6+$0x0] =	vst.idx.add.f32.msk vm4, v23;
	v58 =	vshll.u32 v9, $0x4;
	vm13 =	vlt.u32 v9, $0x186A;
	v2 =	vsub.s32 v2, v1  }
0x75: {  	[tilespmem:v56+s6+$0x0] =	vst.idx.add.f32.msk vm9, v26;
	v11 =	vor.u32 v0, v58;
	v3 =	vshll.u32 v2, $0x4;
	vm12 =	vlt.u32 v2, $0x186A  }
0x76: {  	vm14 =	vlt.u32 v60, $0x186A;
	[tilespmem:v4+s6+$0x0] =	vst.idx.add.f32.msk vm6, v48;
	v2 =	vshll.u32 v60, $0x4;
	v3 =	vor.u32 v0, v3  }
0x77: {  	[tilespmem:v59+s6+$0x0] =	vst.idx.add.f32.msk vm10, v28;
	v2 =	vor.u32 v0, v2  }
0x78: {  	[tilespmem:v10+s6+$0x0] =	vst.idx.add.f32.msk vm11, v49  }
0x79: {  	[tilespmem:v63+s6+$0x0] =	vst.idx.add.f32.msk vm15, v57  }
0x7a: {  	[tilespmem:v11+s6+$0x0] =	vst.idx.add.f32.msk vm13, v51  }
0x7b: {  	[tilespmem:v3+s6+$0x0] =	vst.idx.add.f32.msk vm12, v50  }
0x7c: {  	s19 =	simm.s32 $0x18820;
	s7 =	simm.s32 $0x0;
	[tilespmem:v2+s6+$0x0] =	vst.idx.add.f32.msk vm14, v53  }
.LBB2_4:
0x7d: {  	v2 =	vld [tilespmem:s19+$0x70];
	s7 =	sadd.s32 $0x10, s7  }
0x7e: {  	v3 =	vld [tilespmem:s19+$0xFFFFFF90];
	p0 =	slt.u32 s7, $0xF0  }
0x7f: {  	v4 =	vld [tilespmem:s19+$0xFFFFFFA0]  }
0x80: {  	v5 =	vld [tilespmem:s19+$0xFFFFFFB0]  }
0x81: {  	v6 =	vld [tilespmem:s19+$0xFFFFFFC0]  }
0x82: {  	v7 =	vld [tilespmem:s19+$0xFFFFFFD0];
	v2 =	vsub.s32 v2, v1  }
0x83: {  	s14 =	sadd.s32 $0x100, s14;
	v3 =	vsub.s32 v3, v1;
	v8 =	vld [tilespmem:s19+$0xFFFFFFE0];
	vm3 =	vlt.u32 v2, $0x186A;
	v2 =	vshll.u32 v2, $0x4  }
0x84: {  	v9 =	vshll.u32 v3, $0x4;
	v4 =	vsub.s32 v4, v1;
	v10 =	vld [tilespmem:s14+$0x70];
	v2 =	vor.u32 v0, v2  }
0x85: {  	vm0 =	vlt.u32 v3, $0x186A;
	v3 =	vshll.u32 v4, $0x4;
	v5 =	vsub.s32 v5, v1;
	v11 =	vld [tilespmem:s19+$0xFFFFFFF0]  }
0x86: {  	v9 =	vor.u32 v0, v9;
	v12 =	vshll.u32 v5, $0x4;
	v6 =	vsub.s32 v6, v1;
	v13 =	vld [tilespmem:s19+$0x0]  }
0x87: {  	vm1 =	vlt.u32 v4, $0x186A;
	v4 =	vshll.u32 v6, $0x4;
	v7 =	vsub.s32 v7, v1;
	v14 =	vld [tilespmem:s19+$0x10]  }
0x88: {  	v3 =	vor.u32 v0, v3;
	v15 =	vshll.u32 v7, $0x4;
	v8 =	vsub.s32 v8, v1;
	v16 =	vld [tilespmem:s19+$0x20]  }
0x89: {  	vm2 =	vlt.u32 v5, $0x186A;
	v5 =	vor.u32 v0, v12;
	v12 =	vshll.u32 v8, $0x4;
	[tilespmem:v2+s6+$0x0] =	vst.idx.add.f32.msk vm3, v10  }
0x8a: {  	vm3 =	vlt.u32 v6, $0x186A;
	v2 =	vor.u32 v0, v4;
	v4 =	vsub.s32 v11, v1;
	v6 =	vld [tilespmem:s19+$0x30]  }
0x8b: {  	vm4 =	vlt.u32 v7, $0x186A;
	v7 =	vshll.u32 v4, $0x4;
	v10 =	vsub.s32 v13, v1;
	v11 =	vld [tilespmem:s19+$0x40]  }
0x8c: {  	v13 =	vor.u32 v0, v15;
	v15 =	vshll.u32 v10, $0x4;
	v14 =	vsub.s32 v14, v1;
	v17 =	vld [tilespmem:s19+$0x50]  }
0x8d: {  	vm5 =	vlt.u32 v8, $0x186A;
	v8 =	vshll.u32 v14, $0x4;
	v16 =	vsub.s32 v16, v1;
	v18 =	vld [tilespmem:s19+$0x60]  }
0x8e: {  	v12 =	vor.u32 v0, v12;
	vm6 =	vlt.u32 v4, $0x186A;
	v19 =	vld [tilespmem:s19+$0xFFFFFF80];
	v4 =	vshll.u32 v16, $0x4  }
0x8f: {  	v7 =	vor.u32 v0, v7;
	vm7 =	vlt.u32 v10, $0x186A;
	v20 =	vld [tilespmem:s14+$0xFFFFFF80];
	v6 =	vsub.s32 v6, v1  }
0x90: {  	v15 =	vor.u32 v0, v15;
	v10 =	vld [tilespmem:s14+$0xFFFFFF90];
	v21 =	vshll.u32 v6, $0x4;
	v11 =	vsub.s32 v11, v1  }
0x91: {  	vm8 =	vlt.u32 v14, $0x186A;
	v22 =	vld [tilespmem:s14+$0xFFFFFFA0];
	v14 =	vshll.u32 v11, $0x4;
	v17 =	vsub.s32 v17, v1  }
0x92: {  	v8 =	vor.u32 v0, v8;
	v23 =	vld [tilespmem:s14+$0xFFFFFFB0];
	v24 =	vshll.u32 v17, $0x4;
	v18 =	vsub.s32 v18, v1  }
0x93: {  	vm9 =	vlt.u32 v16, $0x186A;
	v19 =	vsub.s32 v19, v1;
	v25 =	vld [tilespmem:s14+$0xFFFFFFC0];
	v16 =	vshll.u32 v18, $0x4  }
0x94: {  	v4 =	vor.u32 v0, v4;
	vm14 =	vlt.u32 v19, $0x186A;
	v19 =	vshll.u32 v19, $0x4;
	v26 =	vld [tilespmem:s14+$0xFFFFFFD0]  }
0x95: {  	vm10 =	vlt.u32 v6, $0x186A;
	v6 =	vor.u32 v0, v21;
	v19 =	vor.u32 v0, v19;
	v27 =	vld [tilespmem:s14+$0xFFFFFFE0]  }
0x96: {  	vm11 =	vlt.u32 v11, $0x186A;
	v11 =	vor.u32 v0, v14;
	vm12 =	vlt.u32 v17, $0x186A;
	v21 =	vld [tilespmem:s14+$0xFFFFFFF0]  }
0x97: {  	v17 =	vor.u32 v0, v24;
	vm13 =	vlt.u32 v18, $0x186A;
	v16 =	vor.u32 v0, v16;
	v14 =	vld [tilespmem:s14+$0x0]  }
0x98: {  	v18 =	vld [tilespmem:s14+$0x10]  }
0x99: {  	v24 =	vld [tilespmem:s14+$0x20]  }
0x9a: {  	v28 =	vld [tilespmem:s14+$0x30]  }
0x9b: {  	v29 =	vld [tilespmem:s14+$0x40]  }
0x9c: {  	v30 =	vld [tilespmem:s14+$0x50]  }
0x9d: {  	v31 =	vld [tilespmem:s14+$0x60]  }
0x9e: {  	[tilespmem:v19+s6+$0x0] =	vst.idx.add.f32.msk vm14, v20  }
0x9f: {  	[tilespmem:v9+s6+$0x0] =	vst.idx.add.f32.msk vm0, v10  }
0xa0: {  	[tilespmem:v3+s6+$0x0] =	vst.idx.add.f32.msk vm1, v22  }
0xa1: {  	[tilespmem:v5+s6+$0x0] =	vst.idx.add.f32.msk vm2, v23  }
0xa2: {  	[tilespmem:v2+s6+$0x0] =	vst.idx.add.f32.msk vm3, v25  }
0xa3: {  	[tilespmem:v13+s6+$0x0] =	vst.idx.add.f32.msk vm4, v26  }
0xa4: {  	[tilespmem:v12+s6+$0x0] =	vst.idx.add.f32.msk vm5, v27  }
0xa5: {  	[tilespmem:v7+s6+$0x0] =	vst.idx.add.f32.msk vm6, v21  }
0xa6: {  	[tilespmem:v15+s6+$0x0] =	vst.idx.add.f32.msk vm7, v14  }
0xa7: {  	[tilespmem:v8+s6+$0x0] =	vst.idx.add.f32.msk vm8, v18  }
.Ltmp2:
0xa8: {  	[tilespmem:v4+s6+$0x0] =	vst.idx.add.f32.msk vm9, v24;
	(pc) =	sbr.rel @p0 .LBB2_4-.Ltmp2, $4  }
0xa9: {  	[tilespmem:v6+s6+$0x0] =	vst.idx.add.f32.msk vm10, v28  }
0xaa: {  	[tilespmem:v11+s6+$0x0] =	vst.idx.add.f32.msk vm11, v29  }
0xab: {  	[tilespmem:v17+s6+$0x0] =	vst.idx.add.f32.msk vm12, v30  }
0xac: {  	s19 =	sadd.s32 $0x100, s19;
	[tilespmem:v16+s6+$0x0] =	vst.idx.add.f32.msk vm13, v31  }
0xad: {  	s14 =	smul.u32 $0x18000, s28;
	_ =	sdelay $0x1  }
0xae: {  	s7 =	sadd.s32 s16, s14  }
0xaf: {  	s7 =	sshrl.u32 s7, $0x3  }
0xb0: {  	s8 =	sadd.s32 s2, s7  }
0xb1: {  	[tilespmem:s25], [sflag:$0x1] =	stream.strided.gather [hbm4b:s8+s23], $0x1000, s24, s23, $0x38;
	[tilespmem:$0x1E6A0] =	vst v63  }
0xb2: {  	s7 =	sadd.s32 s3, s7  }
0xb3: {  	[tilespmem:s26], [sflag:$0x1] =	stream.strided.gather [hbm4b:s7+s23], $0x1000, s24, s23, $0x38;
	[tilespmem:$0x1E6A0] =	vst v63  }
0xb4: {  	_ =	swait.ge [sflag:s15], $0x1000  }
0xb5: {  	[sflag:s15] =	ssyncset.done $0x0  }
0xb6: {  	[sflag:s15] =	ssyncadd.s32 $0xFFFFF000  }
0xb7: {  	_ =	swait.ge [sflag:s15], $0x1000  }
0xb8: {  	[sflag:s15] =	ssyncset.done $0x0  }
0xb9: {  	s19 =	simm.s32 $0x19720;
	[sflag:s15] =	ssyncadd.s32 $0xFFFFF000  }
0xba: {  	v2 =	vld [tilespmem:s19+$0x70]  }
0xbb: {  	v3 =	vld [tilespmem:s19+$0xFFFFFF90]  }
0xbc: {  	v4 =	vld [tilespmem:s19+$0xFFFFFFA0]  }
0xbd: {  	v5 =	vld [tilespmem:s19+$0xFFFFFFB0]  }
0xbe: {  	v6 =	vld [tilespmem:s19+$0xFFFFFFC0]  }
0xbf: {  	v7 =	vld [tilespmem:s19+$0xFFFFFFD0]  }
0xc0: {  	s7 =	simm.s32 $0x1C720;
	v8 =	vld [tilespmem:s19+$0xFFFFFFE0]  }
0xc1: {  	v9 =	vld [tilespmem:s7+$0x70]  }
0xc2: {  	v10 =	vld [tilespmem:s19+$0xFFFFFFF0]  }
0xc3: {  	v11 =	vld [tilespmem:s19+$0x0]  }
0xc4: {  	v12 =	vld [tilespmem:s19+$0x10]  }
0xc5: {  	v13 =	vld [tilespmem:s19+$0x20]  }
0xc6: {  	v46 =	vld [tilespmem:s19+$0x40]  }
0xc7: {  	v14 =	vld [tilespmem:s19+$0x50]  }
0xc8: {  	v15 =	vld [tilespmem:s19+$0x60]  }
0xc9: {  	v16 =	vld [tilespmem:s19+$0xFFFFFF80]  }
0xca: {  	v17 =	vld [tilespmem:s7+$0xFFFFFF80]  }
0xcb: {  	v18 =	vld [tilespmem:s7+$0xFFFFFF90]  }
0xcc: {  	v19 =	vld [tilespmem:s7+$0xFFFFFFA0]  }
0xcd: {  	v20 =	vld [tilespmem:s7+$0xFFFFFFB0]  }
0xce: {  	v21 =	vld [tilespmem:s7+$0xFFFFFFC0]  }
0xcf: {  	v23 =	vld [tilespmem:s7+$0xFFFFFFD0];
	v2 =	vsub.s32 v2, v1;
	v3 =	vsub.s32 v3, v1;
	v4 =	vsub.s32 v4, v1  }
0xd0: {  	v24 =	vld [tilespmem:s7+$0xFFFFFFE0];
	v5 =	vsub.s32 v5, v1;
	v16 =	vsub.s32 v16, v1;
	v6 =	vsub.s32 v6, v1  }
0xd1: {  	v26 =	vld [tilespmem:s7+$0xFFFFFFF0];
	v7 =	vsub.s32 v7, v1;
	v8 =	vsub.s32 v8, v1;
	v10 =	vsub.s32 v10, v1  }
0xd2: {  	v48 =	vld [tilespmem:s7+$0x0];
	v11 =	vsub.s32 v11, v1;
	v12 =	vsub.s32 v12, v1;
	v13 =	vsub.s32 v13, v1  }
0xd3: {  	v28 =	vld [tilespmem:s7+$0x10];
	v60 =	vsub.s32 v14, v1;
	vm0 =	vlt.u32 v2, $0x186A;
	v2 =	vshll.u32 v2, $0x4  }
0xd4: {  	v49 =	vld [tilespmem:s7+$0x20];
	v61 =	vsub.s32 v15, v1;
	v22 =	vshll.u32 v3, $0x4;
	v2 =	vor.u32 v0, v2  }
0xd5: {  	v50 =	vld [tilespmem:s7+$0x30];
	vm14 =	vlt.u32 v3, $0x186A;
	vm5 =	vlt.u32 v16, $0x186A;
	v16 =	vshll.u32 v16, $0x4  }
0xd6: {  	v51 =	vld [tilespmem:s7+$0x40];
	v3 =	vshll.u32 v4, $0x4;
	v25 =	vshll.u32 v5, $0x4;
	v47 =	vor.u32 v0, v16  }
0xd7: {  	v53 =	vld [tilespmem:s7+$0x50];
	vm1 =	vlt.u32 v4, $0x186A;
	v27 =	vshll.u32 v6, $0x4;
	v22 =	vor.u32 v0, v22  }
0xd8: {  	v57 =	vld [tilespmem:s7+$0x60];
	v29 =	vshll.u32 v7, $0x4;
	vm2 =	vlt.u32 v5, $0x186A;
	v3 =	vor.u32 v0, v3  }
0xd9: {  	v30 =	vshll.u32 v8, $0x4;
	vm3 =	vlt.u32 v6, $0x186A;
	v25 =	vor.u32 v0, v25;
	[tilespmem:v2+s6+$0x0] =	vst.idx.add.f32.msk vm0, v9  }
0xda: {  	vm4 =	vlt.u32 v7, $0x186A;
	vm15 =	vlt.u32 v8, $0x186A;
	v27 =	vor.u32 v0, v27;
	v2 =	vld [tilespmem:s19+$0x30]  }
0xdb: {  	v31 =	vshll.u32 v10, $0x4;
	v52 =	vshll.u32 v11, $0x4;
	v30 =	vor.u32 v0, v30;
	[tilespmem:v47+s6+$0x0] =	vst.idx.add.f32.msk vm5, v17  }
0xdc: {  	v54 =	vshll.u32 v12, $0x4;
	vm9 =	vlt.u32 v10, $0x186A;
	v29 =	vor.u32 v0, v29;
	[tilespmem:v22+s6+$0x0] =	vst.idx.add.f32.msk vm14, v18  }
0xdd: {  	v55 =	vshll.u32 v13, $0x4;
	vm6 =	vlt.u32 v11, $0x186A;
	v56 =	vor.u32 v0, v31;
	[tilespmem:v3+s6+$0x0] =	vst.idx.add.f32.msk vm1, v19  }
0xde: {  	vm10 =	vlt.u32 v12, $0x186A;
	vm11 =	vlt.u32 v13, $0x186A;
	v4 =	vor.u32 v0, v52;
	[tilespmem:v25+s6+$0x0] =	vst.idx.add.f32.msk vm2, v20  }
0xdf: {  	v62 =	vshll.u32 v61, $0x4;
	v59 =	vor.u32 v0, v54;
	v10 =	vor.u32 v0, v55;
	[tilespmem:v27+s6+$0x0] =	vst.idx.add.f32.msk vm3, v21  }
0xe0: {  	v63 =	vor.u32 v0, v62;
	v9 =	vsub.s32 v46, v1;
	[tilespmem:v30+s6+$0x0] =	vst.idx.add.f32.msk vm15, v24;
	vm15 =	vlt.u32 v61, $0x186A  }
0xe1: {  	[tilespmem:v29+s6+$0x0] =	vst.idx.add.f32.msk vm4, v23;
	v58 =	vshll.u32 v9, $0x4;
	vm13 =	vlt.u32 v9, $0x186A;
	v2 =	vsub.s32 v2, v1  }
0xe2: {  	[tilespmem:v56+s6+$0x0] =	vst.idx.add.f32.msk vm9, v26;
	v11 =	vor.u32 v0, v58;
	v3 =	vshll.u32 v2, $0x4;
	vm12 =	vlt.u32 v2, $0x186A  }
0xe3: {  	vm14 =	vlt.u32 v60, $0x186A;
	[tilespmem:v4+s6+$0x0] =	vst.idx.add.f32.msk vm6, v48;
	v2 =	vshll.u32 v60, $0x4;
	v3 =	vor.u32 v0, v3  }
0xe4: {  	[tilespmem:v59+s6+$0x0] =	vst.idx.add.f32.msk vm10, v28;
	v2 =	vor.u32 v0, v2  }
0xe5: {  	[tilespmem:v10+s6+$0x0] =	vst.idx.add.f32.msk vm11, v49  }
0xe6: {  	[tilespmem:v63+s6+$0x0] =	vst.idx.add.f32.msk vm15, v57  }
0xe7: {  	[tilespmem:v11+s6+$0x0] =	vst.idx.add.f32.msk vm13, v51  }
0xe8: {  	[tilespmem:v3+s6+$0x0] =	vst.idx.add.f32.msk vm12, v50  }
0xe9: {  	s8 =	simm.s32 $0x19820;
	s19 =	simm.s32 $0x0;
	[tilespmem:v2+s6+$0x0] =	vst.idx.add.f32.msk vm14, v53  }
.LBB2_6:
0xea: {  	v2 =	vld [tilespmem:s8+$0x70];
	s19 =	sadd.s32 $0x10, s19  }
0xeb: {  	v3 =	vld [tilespmem:s8+$0xFFFFFF90];
	p0 =	slt.u32 s19, $0xF0  }
0xec: {  	v4 =	vld [tilespmem:s8+$0xFFFFFFA0]  }
0xed: {  	v5 =	vld [tilespmem:s8+$0xFFFFFFB0]  }
0xee: {  	v6 =	vld [tilespmem:s8+$0xFFFFFFC0]  }
0xef: {  	v7 =	vld [tilespmem:s8+$0xFFFFFFD0];
	v2 =	vsub.s32 v2, v1  }
0xf0: {  	s7 =	sadd.s32 $0x100, s7;
	v3 =	vsub.s32 v3, v1;
	v8 =	vld [tilespmem:s8+$0xFFFFFFE0];
	vm3 =	vlt.u32 v2, $0x186A;
	v2 =	vshll.u32 v2, $0x4  }
0xf1: {  	v9 =	vshll.u32 v3, $0x4;
	v4 =	vsub.s32 v4, v1;
	v10 =	vld [tilespmem:s7+$0x70];
	v2 =	vor.u32 v0, v2  }
0xf2: {  	vm0 =	vlt.u32 v3, $0x186A;
	v3 =	vshll.u32 v4, $0x4;
	v5 =	vsub.s32 v5, v1;
	v11 =	vld [tilespmem:s8+$0xFFFFFFF0]  }
0xf3: {  	v9 =	vor.u32 v0, v9;
	v12 =	vshll.u32 v5, $0x4;
	v6 =	vsub.s32 v6, v1;
	v13 =	vld [tilespmem:s8+$0x0]  }
0xf4: {  	vm1 =	vlt.u32 v4, $0x186A;
	v4 =	vshll.u32 v6, $0x4;
	v7 =	vsub.s32 v7, v1;
	v14 =	vld [tilespmem:s8+$0x10]  }
0xf5: {  	v3 =	vor.u32 v0, v3;
	v15 =	vshll.u32 v7, $0x4;
	v8 =	vsub.s32 v8, v1;
	v16 =	vld [tilespmem:s8+$0x20]  }
0xf6: {  	vm2 =	vlt.u32 v5, $0x186A;
	v5 =	vor.u32 v0, v12;
	v12 =	vshll.u32 v8, $0x4;
	[tilespmem:v2+s6+$0x0] =	vst.idx.add.f32.msk vm3, v10  }
0xf7: {  	vm3 =	vlt.u32 v6, $0x186A;
	v2 =	vor.u32 v0, v4;
	v4 =	vsub.s32 v11, v1;
	v6 =	vld [tilespmem:s8+$0x30]  }
0xf8: {  	vm4 =	vlt.u32 v7, $0x186A;
	v7 =	vshll.u32 v4, $0x4;
	v10 =	vsub.s32 v13, v1;
	v11 =	vld [tilespmem:s8+$0x40]  }
0xf9: {  	v13 =	vor.u32 v0, v15;
	v15 =	vshll.u32 v10, $0x4;
	v14 =	vsub.s32 v14, v1;
	v17 =	vld [tilespmem:s8+$0x50]  }
0xfa: {  	vm5 =	vlt.u32 v8, $0x186A;
	v8 =	vshll.u32 v14, $0x4;
	v16 =	vsub.s32 v16, v1;
	v18 =	vld [tilespmem:s8+$0x60]  }
0xfb: {  	v12 =	vor.u32 v0, v12;
	vm6 =	vlt.u32 v4, $0x186A;
	v19 =	vld [tilespmem:s8+$0xFFFFFF80];
	v4 =	vshll.u32 v16, $0x4  }
0xfc: {  	v7 =	vor.u32 v0, v7;
	vm7 =	vlt.u32 v10, $0x186A;
	v20 =	vld [tilespmem:s7+$0xFFFFFF80];
	v6 =	vsub.s32 v6, v1  }
0xfd: {  	v15 =	vor.u32 v0, v15;
	v10 =	vld [tilespmem:s7+$0xFFFFFF90];
	v21 =	vshll.u32 v6, $0x4;
	v11 =	vsub.s32 v11, v1  }
0xfe: {  	vm8 =	vlt.u32 v14, $0x186A;
	v22 =	vld [tilespmem:s7+$0xFFFFFFA0];
	v14 =	vshll.u32 v11, $0x4;
	v17 =	vsub.s32 v17, v1  }
0xff: {  	v8 =	vor.u32 v0, v8;
	v23 =	vld [tilespmem:s7+$0xFFFFFFB0];
	v24 =	vshll.u32 v17, $0x4;
	v18 =	vsub.s32 v18, v1  }
0x100: {  	vm9 =	vlt.u32 v16, $0x186A;
	v19 =	vsub.s32 v19, v1;
	v25 =	vld [tilespmem:s7+$0xFFFFFFC0];
	v16 =	vshll.u32 v18, $0x4  }
0x101: {  	v4 =	vor.u32 v0, v4;
	vm14 =	vlt.u32 v19, $0x186A;
	v19 =	vshll.u32 v19, $0x4;
	v26 =	vld [tilespmem:s7+$0xFFFFFFD0]  }
0x102: {  	vm10 =	vlt.u32 v6, $0x186A;
	v6 =	vor.u32 v0, v21;
	v19 =	vor.u32 v0, v19;
	v27 =	vld [tilespmem:s7+$0xFFFFFFE0]  }
0x103: {  	vm11 =	vlt.u32 v11, $0x186A;
	v11 =	vor.u32 v0, v14;
	vm12 =	vlt.u32 v17, $0x186A;
	v21 =	vld [tilespmem:s7+$0xFFFFFFF0]  }
0x104: {  	v17 =	vor.u32 v0, v24;
	vm13 =	vlt.u32 v18, $0x186A;
	v16 =	vor.u32 v0, v16;
	v14 =	vld [tilespmem:s7+$0x0]  }
0x105: {  	v18 =	vld [tilespmem:s7+$0x10]  }
0x106: {  	v24 =	vld [tilespmem:s7+$0x20]  }
0x107: {  	v28 =	vld [tilespmem:s7+$0x30]  }
0x108: {  	v29 =	vld [tilespmem:s7+$0x40]  }
0x109: {  	v30 =	vld [tilespmem:s7+$0x50]  }
0x10a: {  	v31 =	vld [tilespmem:s7+$0x60]  }
0x10b: {  	[tilespmem:v19+s6+$0x0] =	vst.idx.add.f32.msk vm14, v20  }
0x10c: {  	[tilespmem:v9+s6+$0x0] =	vst.idx.add.f32.msk vm0, v10  }
0x10d: {  	[tilespmem:v3+s6+$0x0] =	vst.idx.add.f32.msk vm1, v22  }
0x10e: {  	[tilespmem:v5+s6+$0x0] =	vst.idx.add.f32.msk vm2, v23  }
0x10f: {  	[tilespmem:v2+s6+$0x0] =	vst.idx.add.f32.msk vm3, v25  }
0x110: {  	[tilespmem:v13+s6+$0x0] =	vst.idx.add.f32.msk vm4, v26  }
0x111: {  	[tilespmem:v12+s6+$0x0] =	vst.idx.add.f32.msk vm5, v27  }
0x112: {  	[tilespmem:v7+s6+$0x0] =	vst.idx.add.f32.msk vm6, v21  }
0x113: {  	[tilespmem:v15+s6+$0x0] =	vst.idx.add.f32.msk vm7, v14  }
0x114: {  	[tilespmem:v8+s6+$0x0] =	vst.idx.add.f32.msk vm8, v18  }
.Ltmp3:
0x115: {  	[tilespmem:v4+s6+$0x0] =	vst.idx.add.f32.msk vm9, v24;
	(pc) =	sbr.rel @p0 .LBB2_6-.Ltmp3, $4  }
0x116: {  	[tilespmem:v6+s6+$0x0] =	vst.idx.add.f32.msk vm10, v28  }
0x117: {  	[tilespmem:v11+s6+$0x0] =	vst.idx.add.f32.msk vm11, v29  }
0x118: {  	[tilespmem:v17+s6+$0x0] =	vst.idx.add.f32.msk vm12, v30  }
0x119: {  	s8 =	sadd.s32 $0x100, s8;
	[tilespmem:v16+s6+$0x0] =	vst.idx.add.f32.msk vm13, v31  }
0x11a: {  	p0 =	seq.s32 s28, $0x14  }
0x11b: {  	s7 =	sadd.s32 @!p0 s17, s14  }
0x11c: {  	s19 =	simm.s32 @!p0 $0x10;
	s7 =	sshrl.u32 @!p0 s7, $0x3  }
0x11d: {  	s9 =	simm.s32 @!p0 $0x80;
	s10 =	simm.s32 @!p0 $0x196A0;
	s8 =	sadd.s32 @!p0 s2, s7  }
0x11e: {  	[tilespmem:s10], [sflag:$0x2] =	stream.strided.gather @!p0 [hbm4b:s8+s19], $0x1000, s9, s19, $0x38;
	[tilespmem:$0x1E6A0] =	vst v63  }
0x11f: {  	s7 =	sadd.s32 @!p0 s3, s7;
	s8 =	simm.s32 @!p0 $0x1C6A0  }
0x120: {  	[tilespmem:s8], [sflag:$0x2] =	stream.strided.gather @!p0 [hbm4b:s7+s19], $0x1000, s9, s19, $0x38;
	[tilespmem:$0x1E6A0] =	vst v63  }
0x121: {  	_ =	swait.ge [sflag:s22], $0x1000  }
0x122: {  	[sflag:s22] =	ssyncset.done $0x0  }
0x123: {  	[sflag:s22] =	ssyncadd.s32 $0xFFFFF000  }
0x124: {  	_ =	swait.ge [sflag:s22], $0x1000  }
0x125: {  	[sflag:s22] =	ssyncset.done $0x0  }
0x126: {  	s19 =	simm.s32 $0x1A720;
	[sflag:s22] =	ssyncadd.s32 $0xFFFFF000  }
0x127: {  	v2 =	vld [tilespmem:s19+$0x70]  }
0x128: {  	v3 =	vld [tilespmem:s19+$0xFFFFFF90]  }
0x129: {  	v4 =	vld [tilespmem:s19+$0xFFFFFFA0]  }
0x12a: {  	v5 =	vld [tilespmem:s19+$0xFFFFFFB0]  }
0x12b: {  	v6 =	vld [tilespmem:s19+$0xFFFFFFC0]  }
0x12c: {  	v7 =	vld [tilespmem:s19+$0xFFFFFFD0]  }
0x12d: {  	s7 =	simm.s32 $0x1D720;
	v8 =	vld [tilespmem:s19+$0xFFFFFFE0]  }
0x12e: {  	v9 =	vld [tilespmem:s7+$0x70]  }
0x12f: {  	v10 =	vld [tilespmem:s19+$0xFFFFFFF0]  }
0x130: {  	v11 =	vld [tilespmem:s19+$0x0]  }
0x131: {  	v12 =	vld [tilespmem:s19+$0x10]  }
0x132: {  	v13 =	vld [tilespmem:s19+$0x20]  }
0x133: {  	v46 =	vld [tilespmem:s19+$0x40]  }
0x134: {  	v14 =	vld [tilespmem:s19+$0x50]  }
0x135: {  	v15 =	vld [tilespmem:s19+$0x60]  }
0x136: {  	v16 =	vld [tilespmem:s19+$0xFFFFFF80]  }
0x137: {  	v17 =	vld [tilespmem:s7+$0xFFFFFF80]  }
0x138: {  	v18 =	vld [tilespmem:s7+$0xFFFFFF90]  }
0x139: {  	v19 =	vld [tilespmem:s7+$0xFFFFFFA0]  }
0x13a: {  	v20 =	vld [tilespmem:s7+$0xFFFFFFB0]  }
0x13b: {  	v21 =	vld [tilespmem:s7+$0xFFFFFFC0]  }
0x13c: {  	v23 =	vld [tilespmem:s7+$0xFFFFFFD0];
	v2 =	vsub.s32 v2, v1;
	v3 =	vsub.s32 v3, v1;
	v4 =	vsub.s32 v4, v1  }
0x13d: {  	v24 =	vld [tilespmem:s7+$0xFFFFFFE0];
	v5 =	vsub.s32 v5, v1;
	v16 =	vsub.s32 v16, v1;
	v6 =	vsub.s32 v6, v1  }
0x13e: {  	v26 =	vld [tilespmem:s7+$0xFFFFFFF0];
	v7 =	vsub.s32 v7, v1;
	v8 =	vsub.s32 v8, v1;
	v10 =	vsub.s32 v10, v1  }
0x13f: {  	v48 =	vld [tilespmem:s7+$0x0];
	v11 =	vsub.s32 v11, v1;
	v12 =	vsub.s32 v12, v1;
	v13 =	vsub.s32 v13, v1  }
0x140: {  	v28 =	vld [tilespmem:s7+$0x10];
	v60 =	vsub.s32 v14, v1;
	vm0 =	vlt.u32 v2, $0x186A;
	v2 =	vshll.u32 v2, $0x4  }
0x141: {  	v49 =	vld [tilespmem:s7+$0x20];
	v61 =	vsub.s32 v15, v1;
	v22 =	vshll.u32 v3, $0x4;
	v2 =	vor.u32 v0, v2  }
0x142: {  	v50 =	vld [tilespmem:s7+$0x30];
	vm14 =	vlt.u32 v3, $0x186A;
	vm5 =	vlt.u32 v16, $0x186A;
	v16 =	vshll.u32 v16, $0x4  }
0x143: {  	v51 =	vld [tilespmem:s7+$0x40];
	v3 =	vshll.u32 v4, $0x4;
	v25 =	vshll.u32 v5, $0x4;
	v47 =	vor.u32 v0, v16  }
0x144: {  	v53 =	vld [tilespmem:s7+$0x50];
	vm1 =	vlt.u32 v4, $0x186A;
	v27 =	vshll.u32 v6, $0x4;
	v22 =	vor.u32 v0, v22  }
0x145: {  	v57 =	vld [tilespmem:s7+$0x60];
	v29 =	vshll.u32 v7, $0x4;
	vm2 =	vlt.u32 v5, $0x186A;
	v3 =	vor.u32 v0, v3  }
0x146: {  	v30 =	vshll.u32 v8, $0x4;
	vm3 =	vlt.u32 v6, $0x186A;
	v25 =	vor.u32 v0, v25;
	[tilespmem:v2+s6+$0x0] =	vst.idx.add.f32.msk vm0, v9  }
0x147: {  	vm4 =	vlt.u32 v7, $0x186A;
	vm15 =	vlt.u32 v8, $0x186A;
	v27 =	vor.u32 v0, v27;
	v2 =	vld [tilespmem:s19+$0x30]  }
0x148: {  	v31 =	vshll.u32 v10, $0x4;
	v52 =	vshll.u32 v11, $0x4;
	v30 =	vor.u32 v0, v30;
	[tilespmem:v47+s6+$0x0] =	vst.idx.add.f32.msk vm5, v17  }
0x149: {  	v54 =	vshll.u32 v12, $0x4;
	vm9 =	vlt.u32 v10, $0x186A;
	v29 =	vor.u32 v0, v29;
	[tilespmem:v22+s6+$0x0] =	vst.idx.add.f32.msk vm14, v18  }
0x14a: {  	v55 =	vshll.u32 v13, $0x4;
	vm6 =	vlt.u32 v11, $0x186A;
	v56 =	vor.u32 v0, v31;
	[tilespmem:v3+s6+$0x0] =	vst.idx.add.f32.msk vm1, v19  }
0x14b: {  	vm10 =	vlt.u32 v12, $0x186A;
	vm11 =	vlt.u32 v13, $0x186A;
	v4 =	vor.u32 v0, v52;
	[tilespmem:v25+s6+$0x0] =	vst.idx.add.f32.msk vm2, v20  }
0x14c: {  	v62 =	vshll.u32 v61, $0x4;
	v59 =	vor.u32 v0, v54;
	v10 =	vor.u32 v0, v55;
	[tilespmem:v27+s6+$0x0] =	vst.idx.add.f32.msk vm3, v21  }
0x14d: {  	v63 =	vor.u32 v0, v62;
	v9 =	vsub.s32 v46, v1;
	[tilespmem:v30+s6+$0x0] =	vst.idx.add.f32.msk vm15, v24;
	vm15 =	vlt.u32 v61, $0x186A  }
0x14e: {  	[tilespmem:v29+s6+$0x0] =	vst.idx.add.f32.msk vm4, v23;
	v58 =	vshll.u32 v9, $0x4;
	vm13 =	vlt.u32 v9, $0x186A;
	v2 =	vsub.s32 v2, v1  }
0x14f: {  	[tilespmem:v56+s6+$0x0] =	vst.idx.add.f32.msk vm9, v26;
	v11 =	vor.u32 v0, v58;
	v3 =	vshll.u32 v2, $0x4;
	vm12 =	vlt.u32 v2, $0x186A  }
0x150: {  	vm14 =	vlt.u32 v60, $0x186A;
	[tilespmem:v4+s6+$0x0] =	vst.idx.add.f32.msk vm6, v48;
	v2 =	vshll.u32 v60, $0x4;
	v3 =	vor.u32 v0, v3  }
0x151: {  	[tilespmem:v59+s6+$0x0] =	vst.idx.add.f32.msk vm10, v28;
	v2 =	vor.u32 v0, v2  }
0x152: {  	[tilespmem:v10+s6+$0x0] =	vst.idx.add.f32.msk vm11, v49  }
0x153: {  	[tilespmem:v63+s6+$0x0] =	vst.idx.add.f32.msk vm15, v57  }
0x154: {  	[tilespmem:v11+s6+$0x0] =	vst.idx.add.f32.msk vm13, v51  }
0x155: {  	[tilespmem:v3+s6+$0x0] =	vst.idx.add.f32.msk vm12, v50  }
0x156: {  	s8 =	simm.s32 $0x1A820;
	s19 =	simm.s32 $0x0;
	[tilespmem:v2+s6+$0x0] =	vst.idx.add.f32.msk vm14, v53  }
.LBB2_8:
0x157: {  	v2 =	vld [tilespmem:s8+$0x70];
	s19 =	sadd.s32 $0x10, s19  }
0x158: {  	v3 =	vld [tilespmem:s8+$0xFFFFFF90];
	p1 =	slt.u32 s19, $0xF0  }
0x159: {  	v4 =	vld [tilespmem:s8+$0xFFFFFFA0]  }
0x15a: {  	v5 =	vld [tilespmem:s8+$0xFFFFFFB0]  }
0x15b: {  	v6 =	vld [tilespmem:s8+$0xFFFFFFC0]  }
0x15c: {  	v7 =	vld [tilespmem:s8+$0xFFFFFFD0];
	v2 =	vsub.s32 v2, v1  }
0x15d: {  	s7 =	sadd.s32 $0x100, s7;
	v3 =	vsub.s32 v3, v1;
	v8 =	vld [tilespmem:s8+$0xFFFFFFE0];
	vm3 =	vlt.u32 v2, $0x186A;
	v2 =	vshll.u32 v2, $0x4  }
0x15e: {  	v9 =	vshll.u32 v3, $0x4;
	v4 =	vsub.s32 v4, v1;
	v10 =	vld [tilespmem:s7+$0x70];
	v2 =	vor.u32 v0, v2  }
0x15f: {  	vm0 =	vlt.u32 v3, $0x186A;
	v3 =	vshll.u32 v4, $0x4;
	v5 =	vsub.s32 v5, v1;
	v11 =	vld [tilespmem:s8+$0xFFFFFFF0]  }
0x160: {  	v9 =	vor.u32 v0, v9;
	v12 =	vshll.u32 v5, $0x4;
	v6 =	vsub.s32 v6, v1;
	v13 =	vld [tilespmem:s8+$0x0]  }
0x161: {  	vm1 =	vlt.u32 v4, $0x186A;
	v4 =	vshll.u32 v6, $0x4;
	v7 =	vsub.s32 v7, v1;
	v14 =	vld [tilespmem:s8+$0x10]  }
0x162: {  	v3 =	vor.u32 v0, v3;
	v15 =	vshll.u32 v7, $0x4;
	v8 =	vsub.s32 v8, v1;
	v16 =	vld [tilespmem:s8+$0x20]  }
0x163: {  	vm2 =	vlt.u32 v5, $0x186A;
	v5 =	vor.u32 v0, v12;
	v12 =	vshll.u32 v8, $0x4;
	[tilespmem:v2+s6+$0x0] =	vst.idx.add.f32.msk vm3, v10  }
0x164: {  	vm3 =	vlt.u32 v6, $0x186A;
	v2 =	vor.u32 v0, v4;
	v4 =	vsub.s32 v11, v1;
	v6 =	vld [tilespmem:s8+$0x30]  }
0x165: {  	vm4 =	vlt.u32 v7, $0x186A;
	v7 =	vshll.u32 v4, $0x4;
	v10 =	vsub.s32 v13, v1;
	v11 =	vld [tilespmem:s8+$0x40]  }
0x166: {  	v13 =	vor.u32 v0, v15;
	v15 =	vshll.u32 v10, $0x4;
	v14 =	vsub.s32 v14, v1;
	v17 =	vld [tilespmem:s8+$0x50]  }
0x167: {  	vm5 =	vlt.u32 v8, $0x186A;
	v8 =	vshll.u32 v14, $0x4;
	v16 =	vsub.s32 v16, v1;
	v18 =	vld [tilespmem:s8+$0x60]  }
0x168: {  	v12 =	vor.u32 v0, v12;
	vm6 =	vlt.u32 v4, $0x186A;
	v19 =	vld [tilespmem:s8+$0xFFFFFF80];
	v4 =	vshll.u32 v16, $0x4  }
0x169: {  	v7 =	vor.u32 v0, v7;
	vm7 =	vlt.u32 v10, $0x186A;
	v20 =	vld [tilespmem:s7+$0xFFFFFF80];
	v6 =	vsub.s32 v6, v1  }
0x16a: {  	v15 =	vor.u32 v0, v15;
	v10 =	vld [tilespmem:s7+$0xFFFFFF90];
	v21 =	vshll.u32 v6, $0x4;
	v11 =	vsub.s32 v11, v1  }
0x16b: {  	vm8 =	vlt.u32 v14, $0x186A;
	v22 =	vld [tilespmem:s7+$0xFFFFFFA0];
	v14 =	vshll.u32 v11, $0x4;
	v17 =	vsub.s32 v17, v1  }
0x16c: {  	v8 =	vor.u32 v0, v8;
	v23 =	vld [tilespmem:s7+$0xFFFFFFB0];
	v24 =	vshll.u32 v17, $0x4;
	v18 =	vsub.s32 v18, v1  }
0x16d: {  	vm9 =	vlt.u32 v16, $0x186A;
	v19 =	vsub.s32 v19, v1;
	v25 =	vld [tilespmem:s7+$0xFFFFFFC0];
	v16 =	vshll.u32 v18, $0x4  }
0x16e: {  	v4 =	vor.u32 v0, v4;
	vm14 =	vlt.u32 v19, $0x186A;
	v19 =	vshll.u32 v19, $0x4;
	v26 =	vld [tilespmem:s7+$0xFFFFFFD0]  }
0x16f: {  	vm10 =	vlt.u32 v6, $0x186A;
	v6 =	vor.u32 v0, v21;
	v19 =	vor.u32 v0, v19;
	v27 =	vld [tilespmem:s7+$0xFFFFFFE0]  }
0x170: {  	vm11 =	vlt.u32 v11, $0x186A;
	v11 =	vor.u32 v0, v14;
	vm12 =	vlt.u32 v17, $0x186A;
	v21 =	vld [tilespmem:s7+$0xFFFFFFF0]  }
0x171: {  	v17 =	vor.u32 v0, v24;
	vm13 =	vlt.u32 v18, $0x186A;
	v16 =	vor.u32 v0, v16;
	v14 =	vld [tilespmem:s7+$0x0]  }
0x172: {  	v18 =	vld [tilespmem:s7+$0x10]  }
0x173: {  	v24 =	vld [tilespmem:s7+$0x20]  }
0x174: {  	v28 =	vld [tilespmem:s7+$0x30]  }
0x175: {  	v29 =	vld [tilespmem:s7+$0x40]  }
0x176: {  	v30 =	vld [tilespmem:s7+$0x50]  }
0x177: {  	v31 =	vld [tilespmem:s7+$0x60]  }
0x178: {  	[tilespmem:v19+s6+$0x0] =	vst.idx.add.f32.msk vm14, v20  }
0x179: {  	[tilespmem:v9+s6+$0x0] =	vst.idx.add.f32.msk vm0, v10  }
0x17a: {  	[tilespmem:v3+s6+$0x0] =	vst.idx.add.f32.msk vm1, v22  }
0x17b: {  	[tilespmem:v5+s6+$0x0] =	vst.idx.add.f32.msk vm2, v23  }
0x17c: {  	[tilespmem:v2+s6+$0x0] =	vst.idx.add.f32.msk vm3, v25  }
0x17d: {  	[tilespmem:v13+s6+$0x0] =	vst.idx.add.f32.msk vm4, v26  }
0x17e: {  	[tilespmem:v12+s6+$0x0] =	vst.idx.add.f32.msk vm5, v27  }
0x17f: {  	[tilespmem:v7+s6+$0x0] =	vst.idx.add.f32.msk vm6, v21  }
0x180: {  	[tilespmem:v15+s6+$0x0] =	vst.idx.add.f32.msk vm7, v14  }
0x181: {  	[tilespmem:v8+s6+$0x0] =	vst.idx.add.f32.msk vm8, v18  }
.Ltmp4:
0x182: {  	[tilespmem:v4+s6+$0x0] =	vst.idx.add.f32.msk vm9, v24;
	(pc) =	sbr.rel @p1 .LBB2_8-.Ltmp4, $4  }
0x183: {  	[tilespmem:v6+s6+$0x0] =	vst.idx.add.f32.msk vm10, v28  }
0x184: {  	[tilespmem:v11+s6+$0x0] =	vst.idx.add.f32.msk vm11, v29  }
0x185: {  	[tilespmem:v17+s6+$0x0] =	vst.idx.add.f32.msk vm12, v30  }
0x186: {  	s8 =	sadd.s32 $0x100, s8;
	[tilespmem:v16+s6+$0x0] =	vst.idx.add.f32.msk vm13, v31  }
.Ltmp5:
0x187: {  	(pc) =	sbr.rel @p0 .LBB2_11-.Ltmp5, $1  }
0x188: {  	_ =	sdelay $0x3  }
0x189: {  	s7 =	sadd.s32 s18, s14  }
.Ltmp6:
0x18a: {  	s7 =	sshrl.u32 s7, $0x3;
	(pc) =	sbr.rel .LBB2_3-.Ltmp6, $4  }
0x18b: {  	s8 =	sadd.s32 s2, s7  }
0x18c: {  	[tilespmem:s30], [sflag:$0x3] =	stream.strided.gather [hbm4b:s8+s23], $0x1000, s24, s23, $0x38;
	[tilespmem:$0x1E6A0] =	vst v63  }
0x18d: {  	s28 =	sadd.s32 $0x1, s28;
	s7 =	sadd.s32 s3, s7  }
0x18e: {  	[tilespmem:s31], [sflag:$0x3] =	stream.strided.gather [hbm4b:s7+s23], $0x1000, s24, s23, $0x38;
	[tilespmem:$0x1E6A0] =	vst v63  }
.LBB2_11:
0x18f: {  	_ =	swait.ge [sflag:s4], $0x1000  }
0x190: {  	[sflag:s4] =	ssyncset.done $0x0  }
0x191: {  	[sflag:s4] =	ssyncadd.s32 $0xFFFFF000  }
0x192: {  	_ =	swait.ge [sflag:s4], $0x1000  }
0x193: {  	[sflag:s4] =	ssyncset.done $0x0  }
0x194: {  	s8 =	simm.s32 $0x18720;
	[sflag:s4] =	ssyncadd.s32 $0xFFFFF000  }
0x195: {  	v2 =	vld [tilespmem:s8+$0x70]  }
0x196: {  	v3 =	vld [tilespmem:s8+$0xFFFFFF90]  }
0x197: {  	v4 =	vld [tilespmem:s8+$0xFFFFFFA0]  }
0x198: {  	v5 =	vld [tilespmem:s8+$0xFFFFFFB0]  }
0x199: {  	v6 =	vld [tilespmem:s8+$0xFFFFFFC0]  }
0x19a: {  	v7 =	vld [tilespmem:s8+$0xFFFFFFD0]  }
0x19b: {  	s7 =	simm.s32 $0x1B720;
	v8 =	vld [tilespmem:s8+$0xFFFFFFE0]  }
0x19c: {  	v9 =	vld [tilespmem:s7+$0x70]  }
0x19d: {  	v10 =	vld [tilespmem:s8+$0xFFFFFFF0]  }
0x19e: {  	v11 =	vld [tilespmem:s8+$0x0]  }
0x19f: {  	v12 =	vld [tilespmem:s8+$0x10]  }
0x1a0: {  	v13 =	vld [tilespmem:s8+$0x20]  }
0x1a1: {  	v46 =	vld [tilespmem:s8+$0x40]  }
0x1a2: {  	v14 =	vld [tilespmem:s8+$0x50]  }
0x1a3: {  	v15 =	vld [tilespmem:s8+$0x60]  }
0x1a4: {  	v16 =	vld [tilespmem:s8+$0xFFFFFF80]  }
0x1a5: {  	v17 =	vld [tilespmem:s7+$0xFFFFFF80]  }
0x1a6: {  	v18 =	vld [tilespmem:s7+$0xFFFFFF90]  }
0x1a7: {  	v19 =	vld [tilespmem:s7+$0xFFFFFFA0]  }
0x1a8: {  	v20 =	vld [tilespmem:s7+$0xFFFFFFB0]  }
0x1a9: {  	v21 =	vld [tilespmem:s7+$0xFFFFFFC0]  }
0x1aa: {  	v23 =	vld [tilespmem:s7+$0xFFFFFFD0];
	v2 =	vsub.s32 v2, v1;
	v3 =	vsub.s32 v3, v1;
	v4 =	vsub.s32 v4, v1  }
0x1ab: {  	v24 =	vld [tilespmem:s7+$0xFFFFFFE0];
	v5 =	vsub.s32 v5, v1;
	v16 =	vsub.s32 v16, v1;
	v6 =	vsub.s32 v6, v1  }
0x1ac: {  	v26 =	vld [tilespmem:s7+$0xFFFFFFF0];
	v7 =	vsub.s32 v7, v1;
	v8 =	vsub.s32 v8, v1;
	v10 =	vsub.s32 v10, v1  }
0x1ad: {  	v48 =	vld [tilespmem:s7+$0x0];
	v11 =	vsub.s32 v11, v1;
	v12 =	vsub.s32 v12, v1;
	v13 =	vsub.s32 v13, v1  }
0x1ae: {  	v28 =	vld [tilespmem:s7+$0x10];
	v60 =	vsub.s32 v14, v1;
	vm0 =	vlt.u32 v2, $0x186A;
	v2 =	vshll.u32 v2, $0x4  }
0x1af: {  	v49 =	vld [tilespmem:s7+$0x20];
	v61 =	vsub.s32 v15, v1;
	v22 =	vshll.u32 v3, $0x4;
	v2 =	vor.u32 v0, v2  }
0x1b0: {  	v50 =	vld [tilespmem:s7+$0x30];
	vm14 =	vlt.u32 v3, $0x186A;
	vm5 =	vlt.u32 v16, $0x186A;
	v16 =	vshll.u32 v16, $0x4  }
0x1b1: {  	v51 =	vld [tilespmem:s7+$0x40];
	v3 =	vshll.u32 v4, $0x4;
	v25 =	vshll.u32 v5, $0x4;
	v47 =	vor.u32 v0, v16  }
0x1b2: {  	v53 =	vld [tilespmem:s7+$0x50];
	vm1 =	vlt.u32 v4, $0x186A;
	v27 =	vshll.u32 v6, $0x4;
	v22 =	vor.u32 v0, v22  }
0x1b3: {  	v57 =	vld [tilespmem:s7+$0x60];
	v29 =	vshll.u32 v7, $0x4;
	vm2 =	vlt.u32 v5, $0x186A;
	v3 =	vor.u32 v0, v3  }
0x1b4: {  	v30 =	vshll.u32 v8, $0x4;
	vm3 =	vlt.u32 v6, $0x186A;
	v25 =	vor.u32 v0, v25;
	[tilespmem:v2+s6+$0x0] =	vst.idx.add.f32.msk vm0, v9  }
0x1b5: {  	vm4 =	vlt.u32 v7, $0x186A;
	vm15 =	vlt.u32 v8, $0x186A;
	v27 =	vor.u32 v0, v27;
	v2 =	vld [tilespmem:s8+$0x30]  }
0x1b6: {  	v31 =	vshll.u32 v10, $0x4;
	v52 =	vshll.u32 v11, $0x4;
	v30 =	vor.u32 v0, v30;
	[tilespmem:v47+s6+$0x0] =	vst.idx.add.f32.msk vm5, v17  }
0x1b7: {  	v54 =	vshll.u32 v12, $0x4;
	vm9 =	vlt.u32 v10, $0x186A;
	v29 =	vor.u32 v0, v29;
	[tilespmem:v22+s6+$0x0] =	vst.idx.add.f32.msk vm14, v18  }
0x1b8: {  	v55 =	vshll.u32 v13, $0x4;
	vm6 =	vlt.u32 v11, $0x186A;
	v56 =	vor.u32 v0, v31;
	[tilespmem:v3+s6+$0x0] =	vst.idx.add.f32.msk vm1, v19  }
0x1b9: {  	vm10 =	vlt.u32 v12, $0x186A;
	vm11 =	vlt.u32 v13, $0x186A;
	v4 =	vor.u32 v0, v52;
	[tilespmem:v25+s6+$0x0] =	vst.idx.add.f32.msk vm2, v20  }
0x1ba: {  	v62 =	vshll.u32 v61, $0x4;
	v59 =	vor.u32 v0, v54;
	v10 =	vor.u32 v0, v55;
	[tilespmem:v27+s6+$0x0] =	vst.idx.add.f32.msk vm3, v21  }
0x1bb: {  	v63 =	vor.u32 v0, v62;
	v9 =	vsub.s32 v46, v1;
	[tilespmem:v30+s6+$0x0] =	vst.idx.add.f32.msk vm15, v24;
	vm15 =	vlt.u32 v61, $0x186A  }
0x1bc: {  	[tilespmem:v29+s6+$0x0] =	vst.idx.add.f32.msk vm4, v23;
	v58 =	vshll.u32 v9, $0x4;
	vm13 =	vlt.u32 v9, $0x186A;
	v2 =	vsub.s32 v2, v1  }
0x1bd: {  	[tilespmem:v56+s6+$0x0] =	vst.idx.add.f32.msk vm9, v26;
	v11 =	vor.u32 v0, v58;
	v3 =	vshll.u32 v2, $0x4;
	vm12 =	vlt.u32 v2, $0x186A  }
0x1be: {  	vm14 =	vlt.u32 v60, $0x186A;
	[tilespmem:v4+s6+$0x0] =	vst.idx.add.f32.msk vm6, v48;
	v2 =	vshll.u32 v60, $0x4;
	v3 =	vor.u32 v0, v3  }
0x1bf: {  	[tilespmem:v59+s6+$0x0] =	vst.idx.add.f32.msk vm10, v28;
	v2 =	vor.u32 v0, v2  }
0x1c0: {  	[tilespmem:v10+s6+$0x0] =	vst.idx.add.f32.msk vm11, v49  }
0x1c1: {  	[tilespmem:v63+s6+$0x0] =	vst.idx.add.f32.msk vm15, v57  }
0x1c2: {  	[tilespmem:v11+s6+$0x0] =	vst.idx.add.f32.msk vm13, v51  }
0x1c3: {  	[tilespmem:v3+s6+$0x0] =	vst.idx.add.f32.msk vm12, v50  }
0x1c4: {  	s14 =	simm.s32 $0x0;
	s8 =	simm.s32 $0x18820;
	[tilespmem:v2+s6+$0x0] =	vst.idx.add.f32.msk vm14, v53  }
.LBB2_12:
0x1c5: {  	v2 =	vld [tilespmem:s8+$0x70];
	s14 =	sadd.s32 $0x10, s14  }
0x1c6: {  	v3 =	vld [tilespmem:s8+$0xFFFFFF90];
	p0 =	slt.u32 s14, $0xF0  }
0x1c7: {  	v4 =	vld [tilespmem:s8+$0xFFFFFFA0]  }
0x1c8: {  	v5 =	vld [tilespmem:s8+$0xFFFFFFB0]  }
0x1c9: {  	v6 =	vld [tilespmem:s8+$0xFFFFFFC0]  }
0x1ca: {  	v7 =	vld [tilespmem:s8+$0xFFFFFFD0];
	v2 =	vsub.s32 v2, v1  }
0x1cb: {  	s7 =	sadd.s32 $0x100, s7;
	v3 =	vsub.s32 v3, v1;
	v8 =	vld [tilespmem:s8+$0xFFFFFFE0];
	vm3 =	vlt.u32 v2, $0x186A;
	v2 =	vshll.u32 v2, $0x4  }
0x1cc: {  	v9 =	vshll.u32 v3, $0x4;
	v4 =	vsub.s32 v4, v1;
	v10 =	vld [tilespmem:s7+$0x70];
	v2 =	vor.u32 v0, v2  }
0x1cd: {  	vm0 =	vlt.u32 v3, $0x186A;
	v3 =	vshll.u32 v4, $0x4;
	v5 =	vsub.s32 v5, v1;
	v11 =	vld [tilespmem:s8+$0xFFFFFFF0]  }
0x1ce: {  	v9 =	vor.u32 v0, v9;
	v12 =	vshll.u32 v5, $0x4;
	v6 =	vsub.s32 v6, v1;
	v13 =	vld [tilespmem:s8+$0x0]  }
0x1cf: {  	vm1 =	vlt.u32 v4, $0x186A;
	v4 =	vshll.u32 v6, $0x4;
	v7 =	vsub.s32 v7, v1;
	v14 =	vld [tilespmem:s8+$0x10]  }
0x1d0: {  	v3 =	vor.u32 v0, v3;
	v15 =	vshll.u32 v7, $0x4;
	v8 =	vsub.s32 v8, v1;
	v16 =	vld [tilespmem:s8+$0x20]  }
0x1d1: {  	vm2 =	vlt.u32 v5, $0x186A;
	v5 =	vor.u32 v0, v12;
	v12 =	vshll.u32 v8, $0x4;
	[tilespmem:v2+s6+$0x0] =	vst.idx.add.f32.msk vm3, v10  }
0x1d2: {  	vm3 =	vlt.u32 v6, $0x186A;
	v2 =	vor.u32 v0, v4;
	v4 =	vsub.s32 v11, v1;
	v6 =	vld [tilespmem:s8+$0x30]  }
0x1d3: {  	vm4 =	vlt.u32 v7, $0x186A;
	v7 =	vshll.u32 v4, $0x4;
	v10 =	vsub.s32 v13, v1;
	v11 =	vld [tilespmem:s8+$0x40]  }
0x1d4: {  	v13 =	vor.u32 v0, v15;
	v15 =	vshll.u32 v10, $0x4;
	v14 =	vsub.s32 v14, v1;
	v17 =	vld [tilespmem:s8+$0x50]  }
0x1d5: {  	vm5 =	vlt.u32 v8, $0x186A;
	v8 =	vshll.u32 v14, $0x4;
	v16 =	vsub.s32 v16, v1;
	v18 =	vld [tilespmem:s8+$0x60]  }
0x1d6: {  	v12 =	vor.u32 v0, v12;
	vm6 =	vlt.u32 v4, $0x186A;
	v19 =	vld [tilespmem:s8+$0xFFFFFF80];
	v4 =	vshll.u32 v16, $0x4  }
0x1d7: {  	v7 =	vor.u32 v0, v7;
	vm7 =	vlt.u32 v10, $0x186A;
	v20 =	vld [tilespmem:s7+$0xFFFFFF80];
	v6 =	vsub.s32 v6, v1  }
0x1d8: {  	v15 =	vor.u32 v0, v15;
	v10 =	vld [tilespmem:s7+$0xFFFFFF90];
	v21 =	vshll.u32 v6, $0x4;
	v11 =	vsub.s32 v11, v1  }
0x1d9: {  	vm8 =	vlt.u32 v14, $0x186A;
	v22 =	vld [tilespmem:s7+$0xFFFFFFA0];
	v14 =	vshll.u32 v11, $0x4;
	v17 =	vsub.s32 v17, v1  }
0x1da: {  	v8 =	vor.u32 v0, v8;
	v23 =	vld [tilespmem:s7+$0xFFFFFFB0];
	v24 =	vshll.u32 v17, $0x4;
	v18 =	vsub.s32 v18, v1  }
0x1db: {  	vm9 =	vlt.u32 v16, $0x186A;
	v19 =	vsub.s32 v19, v1;
	v25 =	vld [tilespmem:s7+$0xFFFFFFC0];
	v16 =	vshll.u32 v18, $0x4  }
0x1dc: {  	v4 =	vor.u32 v0, v4;
	vm14 =	vlt.u32 v19, $0x186A;
	v19 =	vshll.u32 v19, $0x4;
	v26 =	vld [tilespmem:s7+$0xFFFFFFD0]  }
0x1dd: {  	vm10 =	vlt.u32 v6, $0x186A;
	v6 =	vor.u32 v0, v21;
	v19 =	vor.u32 v0, v19;
	v27 =	vld [tilespmem:s7+$0xFFFFFFE0]  }
0x1de: {  	vm11 =	vlt.u32 v11, $0x186A;
	v11 =	vor.u32 v0, v14;
	vm12 =	vlt.u32 v17, $0x186A;
	v21 =	vld [tilespmem:s7+$0xFFFFFFF0]  }
0x1df: {  	v17 =	vor.u32 v0, v24;
	vm13 =	vlt.u32 v18, $0x186A;
	v16 =	vor.u32 v0, v16;
	v14 =	vld [tilespmem:s7+$0x0]  }
0x1e0: {  	v18 =	vld [tilespmem:s7+$0x10]  }
0x1e1: {  	v24 =	vld [tilespmem:s7+$0x20]  }
0x1e2: {  	v28 =	vld [tilespmem:s7+$0x30]  }
0x1e3: {  	v29 =	vld [tilespmem:s7+$0x40]  }
0x1e4: {  	v30 =	vld [tilespmem:s7+$0x50]  }
0x1e5: {  	v31 =	vld [tilespmem:s7+$0x60]  }
0x1e6: {  	[tilespmem:v19+s6+$0x0] =	vst.idx.add.f32.msk vm14, v20  }
0x1e7: {  	[tilespmem:v9+s6+$0x0] =	vst.idx.add.f32.msk vm0, v10  }
0x1e8: {  	[tilespmem:v3+s6+$0x0] =	vst.idx.add.f32.msk vm1, v22  }
0x1e9: {  	[tilespmem:v5+s6+$0x0] =	vst.idx.add.f32.msk vm2, v23  }
0x1ea: {  	[tilespmem:v2+s6+$0x0] =	vst.idx.add.f32.msk vm3, v25  }
0x1eb: {  	[tilespmem:v13+s6+$0x0] =	vst.idx.add.f32.msk vm4, v26  }
0x1ec: {  	[tilespmem:v12+s6+$0x0] =	vst.idx.add.f32.msk vm5, v27  }
0x1ed: {  	[tilespmem:v7+s6+$0x0] =	vst.idx.add.f32.msk vm6, v21  }
0x1ee: {  	[tilespmem:v15+s6+$0x0] =	vst.idx.add.f32.msk vm7, v14  }
0x1ef: {  	[tilespmem:v8+s6+$0x0] =	vst.idx.add.f32.msk vm8, v18  }
.Ltmp7:
0x1f0: {  	[tilespmem:v4+s6+$0x0] =	vst.idx.add.f32.msk vm9, v24;
	(pc) =	sbr.rel @p0 .LBB2_12-.Ltmp7, $4  }
0x1f1: {  	[tilespmem:v6+s6+$0x0] =	vst.idx.add.f32.msk vm10, v28  }
0x1f2: {  	[tilespmem:v11+s6+$0x0] =	vst.idx.add.f32.msk vm11, v29  }
0x1f3: {  	[tilespmem:v17+s6+$0x0] =	vst.idx.add.f32.msk vm12, v30  }
0x1f4: {  	s8 =	sadd.s32 $0x100, s8;
	[tilespmem:v16+s6+$0x0] =	vst.idx.add.f32.msk vm13, v31  }
0x1f5: {  	s7 =	rddreg [dreg:$0x6]  }
0x1f6: {  	[tilespmem:s25], [sflag:$0x1] =	stream.strided.gather [hbm4b:s7+s23], $0x1000, s24, s23, $0x38;
	[tilespmem:$0x1E6A0] =	vst v63  }
0x1f7: {  	s8 =	rddreg [dreg:$0x7]  }
0x1f8: {  	[tilespmem:s26], [sflag:$0x1] =	stream.strided.gather [hbm4b:s8+s23], $0x1000, s24, s23, $0x38;
	[tilespmem:$0x1E6A0] =	vst v63  }
0x1f9: {  	s9 =	rddreg [dreg:$0x8];
	s8 =	simm.s32 $0x196A0  }
0x1fa: {  	[tilespmem:s8], [sflag:$0x2] =	stream.strided.gather [hbm4b:s9+s23], $0x1000, s24, s23, $0x38;
	[tilespmem:$0x1E6A0] =	vst v63  }
0x1fb: {  	s10 =	simm.s32 $0x1C6A0;
	s5 =	sshll.u32 s5, $0x7;
	s14 =	rddreg [dreg:$0x5]  }
0x1fc: {  	[tilespmem:s10], [sflag:$0x2] =	stream.strided.gather [hbm4b:s11+s23], $0x1000, s24, s23, $0x38;
	[tilespmem:$0x1E6A0] =	vst v63  }
0x1fd: {  	s7 =	sor.u32 s14, s5  }
0x1fe: {  	[tilespmem:s30], [sflag:$0x3] =	stream.strided.gather [hbm4b:s12+s23], $0x1000, s24, s23, $0x38;
	[tilespmem:$0x1E6A0] =	vst v63  }
0x1ff: {  	s19 =	rddreg [dreg:$0x3];
	s7 =	sshrl.u32 s7, $0x3  }
0x200: {  	[tilespmem:s31], [sflag:$0x3] =	stream.strided.gather [hbm4b:s13+s23], $0x1000, s24, s23, $0x38;
	[tilespmem:$0x1E6A0] =	vst v63  }
0x201: {  	s28 =	rddreg [dreg:$0xb];
	s7 =	sadd.s32 s19, s7  }
0x202: {  	[hbm4b:s7+s23] =	stream.strided.scatter [tilespmem:s6], [sflag:$0x4], $0xC350, s24, s23, $0x38;
	[tilespmem:$0x1E6A0] =	vst v63  }
0x203: {  	s7 =	sadd.s32 s28, s5  }
0x204: {  	p0 =	sne.s32 s21, $0x3;
	s7 =	sshrl.u32 s7, $0x3  }
.Ltmp8:
0x205: {  	s9 =	simm.s32 $0xC350;
	s7 =	sadd.s32 s19, s7;
	(pc) =	sbr.rel @!p0 .LBB2_14-.Ltmp8, $4  }
0x206: {  	[hbm4b:s7+s23] =	stream.strided.scatter [tilespmem:s9], [sflag:$0x5], $0xC350, s24, s23, $0x38;
	[tilespmem:$0x1E6A0] =	vst v63  }
0x207: {  	_ =	swait.ge [sflag:s29], $0xC350  }
0x208: {  	[sflag:s29] =	ssyncset.done $0x0  }
0x209: {  	[sflag:s29] =	ssyncadd.s32 $0xFFFF3CB0  }
0x20a: {  	s7 =	rddreg [dreg:$0xc]  }
0x20b: {  	s7 =	sadd.s32 s7, s5  }
0x20c: {  	s8 =	rddreg [dreg:$0x0];
	s7 =	sshrl.u32 s7, $0x3  }
0x20d: {  	s7 =	sadd.s32 s8, s7  }
0x20e: {  	[tilespmem:s6], [sflag:$0x7] =	stream.strided.gather [hbm4b:s7+s23], $0xC350, s24, s23, $0x38;
	[tilespmem:$0x1E6A0] =	vst v63  }
0x20f: {  	_ =	swait.ge [sflag:s20], $0xC350  }
0x210: {  	[sflag:s20] =	ssyncset.done $0x0  }
0x211: {  	[sflag:s20] =	ssyncadd.s32 $0xFFFF3CB0  }
0x212: {  	_ =	swait.ge [sflag:s1], $0xC350  }
0x213: {  	s19 =	rddreg [dreg:$0xd]  }
0x214: {  	s28 =	sadd.s32 s19, s5  }
0x215: {  	s21 =	sadd.s32 $0x1, s21;
	[sflag:s1] =	ssyncset.done $0x0;
	s5 =	sshrl.u32 s28, $0x3  }
0x216: {  	p0 =	sne.s32 s21, $0x4;
	[sflag:s1] =	ssyncadd.s32 $0xFFFF3CB0;
	s5 =	sadd.s32 s8, s5  }
0x217: {  	[tilespmem:s9], [sflag:$0x6] =	stream.strided.gather [hbm4b:s5+s23], $0xC350, s24, s23, $0x38;
	[tilespmem:$0x1E6A0] =	vst v63  }
.Ltmp9:
0x218: {  	_ = 	snop;
	(pc) =	sbr.rel @p0 .LBB2_2-.Ltmp9, $4  }
.Ltmp10:
0x219: {  	_ = 	snop;
	(pc) =	sbr.rel @!p0 .LBB2_16-.Ltmp10, $4  }
0x21a: {  	_ =	swait.ge [sflag:s0], $0xC350  }
0x21b: {  	[sflag:s0] =	ssyncset.done $0x0  }
0x21c: {  	[sflag:s0] =	ssyncadd.s32 $0xFFFF3CB0  }
0x21d: {  	_ = 	snop  }
.LBB2_17:
0x21e: {  	_ =	sfence.sel $0x180000  }
0x21f: {  	[bflag:$0x0] =	sbarrier.arrive $0xFFFF  }
0x220: {  	_ =	strace $0x90000047  }
0x221: {  	s0 =	stileid.u32;
	[bflag:$0x2] =	sbarrier.arrive $0xFFFF  }
0x222: {  	p0 =	sne.s32 s0, $0x0;
	s0 =	rddreg [dreg:$0x4]  }
0x223: {  	s0 =	sadd.s32 @!p0 $0x100000, s0  }
0x224: {  	[sflag:s0] =	ssyncadd.tile.s32 @!p0 $0x1;
	_ =	shalt  }
.Lfunc_end2:
_tile_overlayer_lowered:
.L_overlay_start_2:
0x225: {  	(tag) =	ssettag $0x2  }
0x226: {  	s0 =	rddreg [dreg:$0x0];
	s2 =	stileid.u32  }
0x227: {  	s1 =	rddreg [dreg:$0x1];
	p0 =	sne.s32 s2, $0x0  }
0x228: {  	s3 =	rddreg [dreg:$0x2];
	[bflag:$0x3] =	sbarrier.arrive $0xFFFF;
	s2 =	simm.s32 @!p0 $0x1C06  }
0x229: {  	[timem:s3], [sflag:s2] =	dma.local @!p0 [hbm:s0], s1  }
0x22a: {  	s0 =	simm.s32 @!p0 $0x6  }
0x22b: {  	_ =	swait.ge @!p0 [sflag:s0], s1  }
0x22c: {  	s1 =	ssub.s32 @!p0 $0x0, s1;
	[sflag:s0] =	ssyncset.done @!p0 $0x0  }
0x22d: {  	[sflag:s0] =	ssyncadd.s32 @!p0 s1  }
0x22e: {  	[bflag:$0x3] =	sbarrier.arrive $0xFFFF  }
0x22f: {  	_ =	shalt  }

</sc_bundles>
